<compile_context>
chip_gen: v7x
topology: tpu7x:2x2x1
jax: 0.10.2.dev20260603
libtpu: 0.0.44.dev20260713+nightly
codegen_flags: <defaults>
</compile_context>

<pallas_src>
import functools

import jax
import jax.numpy as jnp
from jax import lax
from jax.experimental import pallas as pl
from jax.experimental.pallas import tpu as pltpu
from jax.experimental.pallas import tpu_sc as plsc

N = 10000
NP = 10240
E = 320000
CHUNK = 128
EPAD = 2560 * CHUNK
NCH = EPAD // CHUNK
TCH = NCH // 32
TRASH = 10016
NG = 16
NSLOT = 4
LOOK = 2

_f32 = jnp.float32
_i32 = jnp.int32
_CP = pltpu.CompilerParams(needs_layout_passes=False,
                           use_tc_tiling_on_sc=False)


def _mesh():
    return plsc.VectorSubcoreMesh(core_axis_name="c", subcore_axis_name="s")


def _stream_pass(src_at, dst_acc, gidx, sidx, mbuf, gsems, ssems):

    def g_start(ch, sl):
        pltpu.async_copy(src_at(gidx.at[ch]), mbuf.at[sl], gsems[sl])

    def g_wait(ch, sl):
        pltpu.make_async_copy(src_at(gidx.at[ch]), mbuf.at[sl],
                              gsems[sl]).wait()

    def s_start(ch, sl):
        pltpu.async_copy(mbuf.at[sl], dst_acc.at[sidx.at[ch]], ssems[sl],
                         add=True)

    def s_wait(ch, sl):
        pltpu.make_async_copy(mbuf.at[sl], dst_acc.at[sidx.at[ch]],
                              ssems[sl]).wait()

    for i in range(LOOK):
        g_start(i, i)
    for i in range(NSLOT):
        if i >= LOOK:
            s_wait(i - LOOK, (i + LOOK) % NSLOT)
        g_start(i + LOOK, (i + LOOK) % NSLOT)
        g_wait(i, i)
        s_start(i, i)

    def _body(o, _):
        for i in range(NSLOT):
            ch = o * NSLOT + i
            s_wait(ch - LOOK, (i + LOOK) % NSLOT)
            g_start(ch + LOOK, (i + LOOK) % NSLOT)
            g_wait(ch, i)
            s_start(ch, i)
        return 0
    lax.fori_loop(1, TCH // NSLOT - 1, _body, 0)
    for i in range(NSLOT):
        ch = TCH - NSLOT + i
        s_wait(ch - LOOK, (i + LOOK) % NSLOT)
        if i < LOOK:
            g_start(ch + LOOK, (i + LOOK) % NSLOT)
        g_wait(ch, i)
        s_start(ch, i)
    for i in range(LOOK):
        ch = TCH - LOOK + i
        s_wait(ch, ch % NSLOT)


def _zero_slice(zbuf, acc, base, rows, zrows):
    for off in range(0, rows, zrows):
        pltpu.sync_copy(zbuf, acc.at[pl.ds(base + off, zrows)])



def _deg_body(rows_hbm, dego, rows_t, deg_p, wbuf, zbuf, ident, deg_sh):
    c = lax.axis_index("c")
    s = lax.axis_index("s")
    w = c * 16 + s
    iota = lax.iota(_i32, 16)
    ones = jnp.ones((16,), _f32)
    zeros16 = jnp.zeros((16,), _f32)

    pltpu.sync_copy(rows_hbm.at[pl.ds(w * TCH, TCH)], rows_t)

    def _init(o, _):
        zbuf[o, :] = zeros16
        deg_p[pl.ds(o * 16, 16)] = zeros16
        return 0
    lax.fori_loop(0, 640, _init, 0)
    for cc in range(8):
        for j in range(5):
            ident[cc, pl.ds(j * 16, 16)] = iota + (cc * 80 + j * 16)

    pltpu.sync_copy(zbuf.at[pl.ds(0, 40)], deg_sh.at[pl.ds(s * 40, 40)])
    plsc.subcore_barrier()

    def _hist(ch, _):
        for j in range(8):
            rv = rows_t[ch, pl.ds(j * 16, 16)]
            plsc.addupdate_scatter(deg_p, [rv], ones)
        return 0
    lax.fori_loop(0, TCH, _hist, 0)

    def _stage(r, _):
        wbuf[r, :] = deg_p[pl.ds(r * 16, 16)]
        return 0
    lax.fori_loop(0, 640, _stage, 0)
    for cc in range(8):
        pltpu.sync_copy(wbuf.at[pl.ds(cc * 80, 80)],
                        deg_sh.at[ident.at[cc]], add=True)
    plsc.subcore_barrier()
    pltpu.sync_copy(deg_sh.at[pl.ds(s * 40, 40)],
                    dego.at[c].at[pl.ds(s * 40, 40)])


@jax.jit
def _sc_deg(rows2d):
    return pl.kernel(
        _deg_body,
        jax.ShapeDtypeStruct((2, 640, 16), _f32),
        mesh=_mesh(),
        scratch_types=[
            pltpu.VMEM((TCH, CHUNK), _i32),
            pltpu.VMEM((NP,), _f32),
            pltpu.VMEM((640, 16), _f32),
            pltpu.VMEM((640, 16), _f32),
            pltpu.VMEM((8, 80), _i32),
            pltpu.VMEM_SHARED((640, 16), _f32),
        ],
        compiler_params=_CP, name="gcn_sc_deg")(rows2d)



def _u1acc_body(rows_hbm, cols_hbm, v0_hbm, v1_hbm, accu_o, acc1_o,
                rows_t, cols_t, zbuf, zbuf16, mbuf16, mbuf64,
                acc16, acc64, *sems):
    c = lax.axis_index("c")
    s = lax.axis_index("s")
    w = c * 16 + s
    gsems = sems[:NSLOT]
    ssems = sems[NSLOT:2 * NSLOT]
    zeros64 = jnp.zeros((16,), _f32)

    pltpu.sync_copy(rows_hbm.at[pl.ds(w * TCH, TCH)], rows_t)
    pltpu.sync_copy(cols_hbm.at[pl.ds(w * TCH, TCH)], cols_t)

    def _init(o, _):
        for j in range(4):
            zbuf[o, pl.ds(j * 16, 16)] = zeros64
        zbuf16[o, :] = zeros64
        return 0
    lax.fori_loop(0, 64, _init, 0)

    _zero_slice(zbuf16, acc16, s * 640, 640, 64)
    _zero_slice(zbuf, acc64, s * 640, 640, 64)
    plsc.subcore_barrier()

    _stream_pass(lambda idx: v0_hbm.at[idx], acc16, cols_t, rows_t,
                 mbuf16, gsems, ssems)
    _stream_pass(lambda idx: v1_hbm.at[idx], acc64, rows_t, cols_t,
                 mbuf64, gsems, ssems)
    plsc.subcore_barrier()

    pltpu.sync_copy(acc16.at[pl.ds(s * 640, 640)],
                    accu_o.at[c].at[pl.ds(s * 640, 640)])
    pltpu.sync_copy(acc64.at[pl.ds(s * 640, 640)],
                    acc1_o.at[c].at[pl.ds(s * 640, 640)])


@jax.jit
def _sc_u1acc1(rows2d, cols2d, v0, v1):
    return pl.kernel(
        _u1acc_body,
        (jax.ShapeDtypeStruct((2, NP, 16), _f32),
         jax.ShapeDtypeStruct((2, NP, 64), _f32)),
        mesh=_mesh(),
        scratch_types=[
            pltpu.VMEM((TCH, CHUNK), _i32),
            pltpu.VMEM((TCH, CHUNK), _i32),
            pltpu.VMEM((64, 64), _f32),
            pltpu.VMEM((64, 16), _f32),
            pltpu.VMEM((NSLOT, CHUNK, 16), _f32),
            pltpu.VMEM((NSLOT, CHUNK, 64), _f32),
            pltpu.VMEM_SHARED((NP, 16), _f32),
            pltpu.VMEM_SHARED((NP, 64), _f32),
        ] + [pltpu.SemaphoreType.DMA] * (2 * NSLOT),
        compiler_params=_CP, name="gcn_sc_u1acc1")(rows2d, cols2d, v0, v1)



def _pass64_body(rows_hbm, cols_hbm, v_hbm, acc_o,
                 rows_t, cols_t, zbuf, mbuf64, acc64, *sems):
    c = lax.axis_index("c")
    s = lax.axis_index("s")
    w = c * 16 + s
    gsems = sems[:NSLOT]
    ssems = sems[NSLOT:2 * NSLOT]
    zeros64 = jnp.zeros((16,), _f32)

    pltpu.sync_copy(rows_hbm.at[pl.ds(w * TCH, TCH)], rows_t)
    pltpu.sync_copy(cols_hbm.at[pl.ds(w * TCH, TCH)], cols_t)

    def _init(o, _):
        for j in range(4):
            zbuf[o, pl.ds(j * 16, 16)] = zeros64
        return 0
    lax.fori_loop(0, 64, _init, 0)
    _zero_slice(zbuf, acc64, s * 640, 640, 64)
    plsc.subcore_barrier()

    _stream_pass(lambda idx: v_hbm.at[idx], acc64, rows_t, cols_t,
                 mbuf64, gsems, ssems)
    plsc.subcore_barrier()

    pltpu.sync_copy(acc64.at[pl.ds(s * 640, 640)],
                    acc_o.at[c].at[pl.ds(s * 640, 640)])


@jax.jit
def _sc_pass64(rows2d, cols2d, v):
    return pl.kernel(
        _pass64_body,
        jax.ShapeDtypeStruct((2, NP, 64), _f32),
        mesh=_mesh(),
        scratch_types=[
            pltpu.VMEM((TCH, CHUNK), _i32),
            pltpu.VMEM((TCH, CHUNK), _i32),
            pltpu.VMEM((64, 64), _f32),
            pltpu.VMEM((NSLOT, CHUNK, 64), _f32),
            pltpu.VMEM_SHARED((NP, 64), _f32),
        ] + [pltpu.SemaphoreType.DMA] * (2 * NSLOT),
        compiler_params=_CP, name="gcn_sc_pass64")(rows2d, cols2d, v)



def _bmm(a, b):
    ab = a.astype(jnp.bfloat16).astype(_f32)
    bb = b.astype(jnp.bfloat16).astype(_f32)
    return lax.dot_general(ab, bb, (((1,), (1,)), ((), ())),
                           precision=lax.Precision.HIGHEST,
                           preferred_element_type=_f32)


def _tc1a_body(deg0_ref, deg1_ref, dinv_ref):
    deg = deg0_ref[...] + deg1_ref[...]
    dinv_ref[...] = jnp.where(deg > 0.0, lax.rsqrt(deg), 0.0)


@jax.jit
def _tc1a(deg0_pk, deg1_pk):
    return pl.pallas_call(
        _tc1a_body,
        out_shape=jax.ShapeDtypeStruct((640, 16), _f32),
    )(deg0_pk, deg1_pk)


def _tc1b_body(dinv_ref, batch_ref, x_ref, W1_ref, b1_ref,
               v0_ref, v1_ref):
    dinv = dinv_ref[...]
    iota = lax.broadcasted_iota(_i32, (1, NG), 1)
    v0_ref[...] = jnp.where(batch_ref[...] == iota, dinv, 0.0)
    z = _bmm(x_ref[...], W1_ref[...]) + b1_ref[...]
    v1_ref[pl.ds(0, N), :] = dinv[:N] * z
    v1_ref[pl.ds(N, NP - N), :] = jnp.zeros((NP - N, 64), _f32)


@jax.jit
def _tc1b(dinv_col, batch_col, x, W1, b1):
    return pl.pallas_call(
        _tc1b_body,
        out_shape=(jax.ShapeDtypeStruct((NP, NG), _f32),
                   jax.ShapeDtypeStruct((NP, 64), _f32)),
    )(dinv_col, batch_col, x, W1, b1)


def _tcmid_body(a0_ref, a1_ref, dinv_ref, W_ref, b_ref, v_ref):
    dinv = dinv_ref[...]
    h = dinv * (a0_ref[...] + a1_ref[...])
    z = _bmm(h, W_ref[...]) + b_ref[...]
    v_ref[...] = dinv * z


@jax.jit
def _tc_mid(a0, a1, dinv_col, W, b):
    return pl.pallas_call(
        _tcmid_body,
        out_shape=jax.ShapeDtypeStruct((NP, 64), _f32),
    )(a0, a1, dinv_col, W, b)


def _tcfin_body(au0_ref, au1_ref, a0_ref, a1_ref, dinv_ref, batch_ref,
                W4_ref, b4_ref, Wl_ref, bl_ref, out_ref):
    dinv = dinv_ref[...]
    U1 = dinv * (au0_ref[...] + au1_ref[...])
    h3 = dinv * (a0_ref[...] + a1_ref[...])
    z4 = _bmm(h3, W4_ref[...]) + b4_ref[...]
    pool = lax.dot_general(U1, z4, (((0,), (0,)), ((), ())),
                           precision=lax.Precision.HIGHEST,
                           preferred_element_type=_f32)
    b2d = batch_ref[...]
    n_max = jnp.float32(0.0)
    for gg in range(NG):
        n_max = jnp.maximum(n_max, jnp.sum((b2d == gg).astype(_f32)))
    x_new = pool / n_max
    xb = x_new.astype(jnp.bfloat16).astype(_f32)
    wb = Wl_ref[...].astype(jnp.bfloat16).astype(_f32)
    out_ref[...] = (jnp.sum(xb * wb, axis=1, keepdims=True)
                    + bl_ref[...])


@jax.jit
def _tc_final(au0, au1, a0, a1, dinv_col, batch_col, W4, b4, Wl, bl):
    return pl.pallas_call(
        _tcfin_body,
        out_shape=jax.ShapeDtypeStruct((NG, 1), _f32),
    )(au0, au1, a0, a1, dinv_col, batch_col, W4, b4, Wl, bl)



def kernel(x, edge_index, batch, W1, b1, W2, b2, W3, b3, W4, b4, Wl, bl):
    row = edge_index[0].astype(_i32)
    col = edge_index[1].astype(_i32)
    pad = N + (jnp.arange(EPAD - E, dtype=_i32) % (NP - N))
    rows2d = jnp.concatenate([row, pad]).reshape(NCH, CHUNK)
    cols2d = jnp.concatenate([col, pad]).reshape(NCH, CHUNK)
    batch_col = jnp.concatenate(
        [batch.astype(_i32), jnp.full((NP - N,), -1, _i32)]).reshape(NP, 1)

    degp = _sc_deg(rows2d)
    dinv_pk = _tc1a(degp[0], degp[1])
    dinv_col = dinv_pk.reshape(NP, 1)
    v0, v1 = _tc1b(dinv_col, batch_col, x, W1, b1.reshape(1, 64))
    accu_p, acc1_p = _sc_u1acc1(rows2d, cols2d, v0, v1)
    v2 = _tc_mid(acc1_p[0], acc1_p[1], dinv_col, W2, b2.reshape(1, 64))
    acc2_p = _sc_pass64(rows2d, cols2d, v2)
    v3 = _tc_mid(acc2_p[0], acc2_p[1], dinv_col, W3, b3.reshape(1, 64))
    acc3_p = _sc_pass64(rows2d, cols2d, v3)
    out = _tc_final(accu_p[0], accu_p[1], acc3_p[0], acc3_p[1],
                    dinv_col, batch_col, W4, b4.reshape(1, 64),
                    Wl, bl.reshape(1, 1))
    return out

# --- scband reference (transcript-rebuilt; emitter-appended) ---
"""Pipeline reference for scband-gcnregression-74165495267797 (READ-ONLY COPY).

The authoritative reference and input builder live on the scoring server;
editing this copy changes nothing except your own understanding.
"""

import jax, jax.numpy as jnp
import numpy as np

N_NODES = 10000
N_EDGES = 320000
D_IN = 128
D_HID = 64
D_OUT = 64
NUM_GRAPHS = 16


def setup_inputs(seed: int = 0) -> dict:
    key = jax.random.key(seed)
    ks = jax.random.split(key, 16)
    x = jax.random.normal(ks[0], (N_NODES, D_IN), dtype=jnp.float32)
    edge_index = jax.random.randint(ks[1], (2, N_EDGES), 0, N_NODES, dtype=jnp.int64)
    batch = jnp.sort(jax.random.randint(ks[2], (N_NODES,), 0, NUM_GRAPHS, dtype=jnp.int64))
    def lin(k, out_f, in_f):
        k1, k2 = jax.random.split(k)
        bound = 1.0 / np.sqrt(in_f)
        W = jax.random.uniform(k1, (out_f, in_f), minval=-bound, maxval=bound, dtype=jnp.float32)
        b = jax.random.uniform(k2, (out_f,), minval=-bound, maxval=bound, dtype=jnp.float32)
        return W, b
    W1, b1 = lin(ks[3], D_HID, D_IN)
    W2, b2 = lin(ks[4], D_HID, D_HID)
    W3, b3 = lin(ks[5], D_HID, D_HID)
    W4, b4 = lin(ks[6], D_OUT, D_HID)
    Wl, bl = lin(ks[7], 1, D_OUT)
    return {"x": x, "edge_index": edge_index, "batch": batch,
            "W1": W1, "b1": b1, "W2": W2, "b2": b2,
            "W3": W3, "b3": b3, "W4": W4, "b4": b4,
            "Wl": Wl, "bl": bl}


def _gcn_layer(x, W, b, row, col, n_nodes):
    h = x @ W.T + b
    deg = jnp.zeros((n_nodes,), dtype=h.dtype).at[row].add(1.0)
    deg_inv_sqrt = jnp.where(deg > 0, deg ** -0.5, 0.0)
    norm = deg_inv_sqrt[row] * deg_inv_sqrt[col]
    msg = norm[:, None] * h[row]
    out = jnp.zeros((n_nodes, h.shape[1]), dtype=h.dtype).at[col].add(msg)
    return out


def reference(x, edge_index, batch, W1, b1, W2, b2, W3, b3, W4, b4, Wl, bl):
    row, col = edge_index[0], edge_index[1]
    n = x.shape[0]
    h = _gcn_layer(x, W1, b1, row, col, n)
    h = _gcn_layer(h, W2, b2, row, col, n)
    h = _gcn_layer(h, W3, b3, row, col, n)
    h = _gcn_layer(h, W4, b4, row, col, n)
    # to_dense_batch followed by mean over padded dim-1:
    # mean = per-graph sum / max_nodes_per_graph (zero padding included in mean)
    sums = jax.ops.segment_sum(h, batch, num_segments=NUM_GRAPHS)
    counts = jnp.bincount(batch, length=NUM_GRAPHS)
    n_max = jnp.max(counts).astype(h.dtype)
    x_new = sums / n_max
    out = x_new @ Wl.T + bl
    return out

if __name__ == "__main__":
    import jax
    _d = setup_inputs()
    print(jax.jit(kernel)(*tuple(_d.values())))

</pallas_src>

<mosaic_0001>
#map = affine_map<(d0, d1) -> (0, 0)>
#map1 = affine_map<(d0, d1) -> (0, 0, 0)>
module attributes {stable_mosaic.version = 14 : i64} {
  func.func @gcn_sc_deg(%arg0: i32, %arg1: i32, %arg2: memref<2560x128xi32, #tpu.memory_space<hbm>>, %arg3: memref<2x640x16xf32, #tpu.memory_space<hbm>>, %arg4: memref<80x128xi32, #tpu.memory_space<vmem>>, %arg5: memref<10240xf32, #tpu.memory_space<vmem>>, %arg6: memref<640x16xf32, #tpu.memory_space<vmem>>, %arg7: memref<640x16xf32, #tpu.memory_space<vmem>>, %arg8: memref<8x80xi32, #tpu.memory_space<vmem>>, %arg9: memref<640x16xf32, #tpu.memory_space<vmem_shared>>) attributes {dimension_semantics = [#tpu.dimension_semantics<core_parallel>, #tpu.dimension_semantics<subcore_parallel>], iteration_bounds = array<i64: 2, 16>, scalar_prefetch = 0 : i64, scratch_operands = 6 : i64, tpu.core_type = #tpu.core_type<sc_vector_subcore>, window_params = [{transform_indices = #map}, {transform_indices = #map1}]} {
    %mul3A = arith.constant 16 : i32
    %mul3A_0 = arith.muli %arg0, %mul3A : i32
    %add3A = arith.addi %mul3A_0, %arg1 : i32
    %iota3A = tpu.iota {dimensions = array<i32: 0>} : vector<16xi32>
    %broadcast_in_dim3A = arith.constant 1.000000e+00 : f32
    %broadcast_in_dim3A_1 = vector.broadcast %broadcast_in_dim3A : f32 to vector<16xf32>
    %broadcast_in_dim3A_2 = arith.constant 0.000000e+00 : f32
    %broadcast_in_dim3A_3 = vector.broadcast %broadcast_in_dim3A_2 : f32 to vector<16xf32>
    %mul3A_4 = arith.constant 80 : i32
    %mul3A_5 = arith.muli %add3A, %mul3A_4 : i32
    "tpu.region"() ({
      %run_scoped3A_319 = tpu.sem_alloc : memref<!tpu.dma_semaphore, #tpu.memory_space<semaphore_mem>>
      %dma_start3A = arith.constant 0 : i32
      %dma_start3A_320 = tpu.memref_slice %arg2[%mul3A_5, %dma_start3A] : memref<2560x128xi32, #tpu.memory_space<hbm>> -> memref<80x128xi32, #tpu.memory_space<hbm>>
      %dma_start3A_321 = arith.constant 0 : i32
      %dma_start3A_322 = tpu.memref_slice %arg2[%mul3A_5, %dma_start3A_321] : memref<2560x128xi32, #tpu.memory_space<hbm>> -> memref<80x128xi32, #tpu.memory_space<hbm>>
      tpu.enqueue_dma source(%dma_start3A_322 : memref<80x128xi32, #tpu.memory_space<hbm>>) target(%arg4 : memref<80x128xi32, #tpu.memory_space<vmem>>) target_semaphore(%run_scoped3A_319 : memref<!tpu.dma_semaphore, #tpu.memory_space<semaphore_mem>>)
      %dma_wait3A = arith.constant 0 : i32
      %dma_wait3A_323 = tpu.memref_slice %arg2[%mul3A_5, %dma_wait3A] : memref<2560x128xi32, #tpu.memory_space<hbm>> -> memref<80x128xi32, #tpu.memory_space<hbm>>
      %dma_wait3A_324 = arith.constant 0 : i32
      %dma_wait3A_325 = tpu.memref_slice %arg2[%mul3A_5, %dma_wait3A_324] : memref<2560x128xi32, #tpu.memory_space<hbm>> -> memref<80x128xi32, #tpu.memory_space<hbm>>
      tpu.wait_dma2 semaphore(%run_scoped3A_319 : memref<!tpu.dma_semaphore, #tpu.memory_space<semaphore_mem>>) src(%dma_wait3A_325 : memref<80x128xi32, #tpu.memory_space<hbm>>) dst(%arg4 : memref<80x128xi32, #tpu.memory_space<vmem>>)
      tpu.yield
    }) : () -> ()
    %scan3A = arith.constant 0 : i32
    %scan3A_6 = arith.constant 0 : i32
    %scan3A_7 = arith.constant 640 : i32
    %scan3A_8 = arith.addi %scan3A_6, %scan3A_7 : i32
    %scan3A_9 = arith.constant 1 : i32
    %scan3A_10 = scf.for %scan3A_319 = %scan3A_6 to %scan3A_8 step %scan3A_9 iter_args(%scan3A_320 = %scan3A) -> (i32)  : i32 {
      %swap3A_321 = arith.index_cast %scan3A_319 : i32 to index
      %swap3A_322 = arith.constant 0 : index
      %swap3A_323 = tpu.vector_load %arg7[%swap3A_321, %swap3A_322] {strides = array<i32>} : memref<640x16xf32, #tpu.memory_space<vmem>>, vector<16xf32>,
      tpu.vector_store %arg7[%swap3A_321, %swap3A_322], %broadcast_in_dim3A_3 {strides = array<i32>} : memref<640x16xf32, #tpu.memory_space<vmem>>, vector<16xf32>,
      %mul3A_324 = arith.constant 16 : i32
      %mul3A_325 = arith.muli %scan3A_319, %mul3A_324 : i32
      %swap3A_326 = arith.index_cast %mul3A_325 : i32 to index
      %swap3A_327 = tpu.vector_load %arg5[%swap3A_326] {strides = array<i32>} : memref<10240xf32, #tpu.memory_space<vmem>>, vector<16xf32>,
      tpu.vector_store %arg5[%swap3A_326], %broadcast_in_dim3A_3 {strides = array<i32>} : memref<10240xf32, #tpu.memory_space<vmem>>, vector<16xf32>,
      %scan3A_328 = arith.constant 0 : i32
      scf.yield %scan3A_328 : i32
    }
    %scan3A_11 = arith.constant 640 : i32
    %add3A_12 = arith.constant 0 : i32
    %add3A_13 = vector.broadcast %add3A_12 : i32 to vector<16xi32>
    %add3A_14 = arith.addi %iota3A, %add3A_13 : vector<16xi32>
    %swap3A = arith.constant 0 : i32
    %swap3A_15 = arith.index_cast %swap3A : i32 to index
    %swap3A_16 = arith.constant 0 : index
    %swap3A_17 = tpu.vector_load %arg8[%swap3A_15, %swap3A_16] {strides = array<i32>} : memref<8x80xi32, #tpu.memory_space<vmem>>, vector<16xi32>,
    tpu.vector_store %arg8[%swap3A_15, %swap3A_16], %add3A_14 {strides = array<i32>} : memref<8x80xi32, #tpu.memory_space<vmem>>, vector<16xi32>,
    %add3A_18 = arith.constant 16 : i32
    %add3A_19 = vector.broadcast %add3A_18 : i32 to vector<16xi32>
    %add3A_20 = arith.addi %iota3A, %add3A_19 : vector<16xi32>
    %swap3A_21 = arith.constant 0 : i32
    %swap3A_22 = arith.index_cast %swap3A_21 : i32 to index
    %swap3A_23 = arith.constant 16 : index
    %swap3A_24 = tpu.vector_load %arg8[%swap3A_22, %swap3A_23] {strides = array<i32>} : memref<8x80xi32, #tpu.memory_space<vmem>>, vector<16xi32>,
    tpu.vector_store %arg8[%swap3A_22, %swap3A_23], %add3A_20 {strides = array<i32>} : memref<8x80xi32, #tpu.memory_space<vmem>>, vector<16xi32>,
    %add3A_25 = arith.constant 32 : i32
    %add3A_26 = vector.broadcast %add3A_25 : i32 to vector<16xi32>
    %add3A_27 = arith.addi %iota3A, %add3A_26 : vector<16xi32>
    %swap3A_28 = arith.constant 0 : i32
    %swap3A_29 = arith.index_cast %swap3A_28 : i32 to index
    %swap3A_30 = arith.constant 32 : index
    %swap3A_31 = tpu.vector_load %arg8[%swap3A_29, %swap3A_30] {strides = array<i32>} : memref<8x80xi32, #tpu.memory_space<vmem>>, vector<16xi32>,
    tpu.vector_store %arg8[%swap3A_29, %swap3A_30], %add3A_27 {strides = array<i32>} : memref<8x80xi32, #tpu.memory_space<vmem>>, vector<16xi32>,
    %add3A_32 = arith.constant 48 : i32
    %add3A_33 = vector.broadcast %add3A_32 : i32 to vector<16xi32>
    %add3A_34 = arith.addi %iota3A, %add3A_33 : vector<16xi32>
    %swap3A_35 = arith.constant 0 : i32
    %swap3A_36 = arith.index_cast %swap3A_35 : i32 to index
    %swap3A_37 = arith.constant 48 : index
    %swap3A_38 = tpu.vector_load %arg8[%swap3A_36, %swap3A_37] {strides = array<i32>} : memref<8x80xi32, #tpu.memory_space<vmem>>, vector<16xi32>,
    tpu.vector_store %arg8[%swap3A_36, %swap3A_37], %add3A_34 {strides = array<i32>} : memref<8x80xi32, #tpu.memory_space<vmem>>, vector<16xi32>,
    %add3A_39 = arith.constant 64 : i32
    %add3A_40 = vector.broadcast %add3A_39 : i32 to vector<16xi32>
    %add3A_41 = arith.addi %iota3A, %add3A_40 : vector<16xi32>
    %swap3A_42 = arith.constant 0 : i32
    %swap3A_43 = arith.index_cast %swap3A_42 : i32 to index
    %swap3A_44 = arith.constant 64 : index
    %swap3A_45 = tpu.vector_load %arg8[%swap3A_43, %swap3A_44] {strides = array<i32>} : memref<8x80xi32, #tpu.memory_space<vmem>>, vector<16xi32>,
    tpu.vector_store %arg8[%swap3A_43, %swap3A_44], %add3A_41 {strides = array<i32>} : memref<8x80xi32, #tpu.memory_space<vmem>>, vector<16xi32>,
    %add3A_46 = arith.constant 80 : i32
    %add3A_47 = vector.broadcast %add3A_46 : i32 to vector<16xi32>
    %add3A_48 = arith.addi %iota3A, %add3A_47 : vector<16xi32>
    %swap3A_49 = arith.constant 1 : i32
    %swap3A_50 = arith.index_cast %swap3A_49 : i32 to index
    %swap3A_51 = arith.constant 0 : index
    %swap3A_52 = tpu.vector_load %arg8[%swap3A_50, %swap3A_51] {strides = array<i32>} : memref<8x80xi32, #tpu.memory_space<vmem>>, vector<16xi32>,
    tpu.vector_store %arg8[%swap3A_50, %swap3A_51], %add3A_48 {strides = array<i32>} : memref<8x80xi32, #tpu.memory_space<vmem>>, vector<16xi32>,
    %add3A_53 = arith.constant 96 : i32
    %add3A_54 = vector.broadcast %add3A_53 : i32 to vector<16xi32>
    %add3A_55 = arith.addi %iota3A, %add3A_54 : vector<16xi32>
    %swap3A_56 = arith.constant 1 : i32
    %swap3A_57 = arith.index_cast %swap3A_56 : i32 to index
    %swap3A_58 = arith.constant 16 : index
    %swap3A_59 = tpu.vector_load %arg8[%swap3A_57, %swap3A_58] {strides = array<i32>} : memref<8x80xi32, #tpu.memory_space<vmem>>, vector<16xi32>,
    tpu.vector_store %arg8[%swap3A_57, %swap3A_58], %add3A_55 {strides = array<i32>} : memref<8x80xi32, #tpu.memory_space<vmem>>, vector<16xi32>,
    %add3A_60 = arith.constant 112 : i32
    %add3A_61 = vector.broadcast %add3A_60 : i32 to vector<16xi32>
    %add3A_62 = arith.addi %iota3A, %add3A_61 : vector<16xi32>
    %swap3A_63 = arith.constant 1 : i32
    %swap3A_64 = arith.index_cast %swap3A_63 : i32 to index
    %swap3A_65 = arith.constant 32 : index
    %swap3A_66 = tpu.vector_load %arg8[%swap3A_64, %swap3A_65] {strides = array<i32>} : memref<8x80xi32, #tpu.memory_space<vmem>>, vector<16xi32>,
    tpu.vector_store %arg8[%swap3A_64, %swap3A_65], %add3A_62 {strides = array<i32>} : memref<8x80xi32, #tpu.memory_space<vmem>>, vector<16xi32>,
    %add3A_67 = arith.constant 128 : i32
    %add3A_68 = vector.broadcast %add3A_67 : i32 to vector<16xi32>
    %add3A_69 = arith.addi %iota3A, %add3A_68 : vector<16xi32>
    %swap3A_70 = arith.constant 1 : i32
    %swap3A_71 = arith.index_cast %swap3A_70 : i32 to index
    %swap3A_72 = arith.constant 48 : index
    %swap3A_73 = tpu.vector_load %arg8[%swap3A_71, %swap3A_72] {strides = array<i32>} : memref<8x80xi32, #tpu.memory_space<vmem>>, vector<16xi32>,
    tpu.vector_store %arg8[%swap3A_71, %swap3A_72], %add3A_69 {strides = array<i32>} : memref<8x80xi32, #tpu.memory_space<vmem>>, vector<16xi32>,
    %add3A_74 = arith.constant 144 : i32
    %add3A_75 = vector.broadcast %add3A_74 : i32 to vector<16xi32>
    %add3A_76 = arith.addi %iota3A, %add3A_75 : vector<16xi32>
    %swap3A_77 = arith.constant 1 : i32
    %swap3A_78 = arith.index_cast %swap3A_77 : i32 to index
    %swap3A_79 = arith.constant 64 : index
    %swap3A_80 = tpu.vector_load %arg8[%swap3A_78, %swap3A_79] {strides = array<i32>} : memref<8x80xi32, #tpu.memory_space<vmem>>, vector<16xi32>,
    tpu.vector_store %arg8[%swap3A_78, %swap3A_79], %add3A_76 {strides = array<i32>} : memref<8x80xi32, #tpu.memory_space<vmem>>, vector<16xi32>,
    %add3A_81 = arith.constant 160 : i32
    %add3A_82 = vector.broadcast %add3A_81 : i32 to vector<16xi32>
    %add3A_83 = arith.addi %iota3A, %add3A_82 : vector<16xi32>
    %swap3A_84 = arith.constant 2 : i32
    %swap3A_85 = arith.index_cast %swap3A_84 : i32 to index
    %swap3A_86 = arith.constant 0 : index
    %swap3A_87 = tpu.vector_load %arg8[%swap3A_85, %swap3A_86] {strides = array<i32>} : memref<8x80xi32, #tpu.memory_space<vmem>>, vector<16xi32>,
    tpu.vector_store %arg8[%swap3A_85, %swap3A_86], %add3A_83 {strides = array<i32>} : memref<8x80xi32, #tpu.memory_space<vmem>>, vector<16xi32>,
    %add3A_88 = arith.constant 176 : i32
    %add3A_89 = vector.broadcast %add3A_88 : i32 to vector<16xi32>
    %add3A_90 = arith.addi %iota3A, %add3A_89 : vector<16xi32>
    %swap3A_91 = arith.constant 2 : i32
    %swap3A_92 = arith.index_cast %swap3A_91 : i32 to index
    %swap3A_93 = arith.constant 16 : index
    %swap3A_94 = tpu.vector_load %arg8[%swap3A_92, %swap3A_93] {strides = array<i32>} : memref<8x80xi32, #tpu.memory_space<vmem>>, vector<16xi32>,
    tpu.vector_store %arg8[%swap3A_92, %swap3A_93], %add3A_90 {strides = array<i32>} : memref<8x80xi32, #tpu.memory_space<vmem>>, vector<16xi32>,
    %add3A_95 = arith.constant 192 : i32
    %add3A_96 = vector.broadcast %add3A_95 : i32 to vector<16xi32>
    %add3A_97 = arith.addi %iota3A, %add3A_96 : vector<16xi32>
    %swap3A_98 = arith.constant 2 : i32
    %swap3A_99 = arith.index_cast %swap3A_98 : i32 to index
    %swap3A_100 = arith.constant 32 : index
    %swap3A_101 = tpu.vector_load %arg8[%swap3A_99, %swap3A_100] {strides = array<i32>} : memref<8x80xi32, #tpu.memory_space<vmem>>, vector<16xi32>,
    tpu.vector_store %arg8[%swap3A_99, %swap3A_100], %add3A_97 {strides = array<i32>} : memref<8x80xi32, #tpu.memory_space<vmem>>, vector<16xi32>,
    %add3A_102 = arith.constant 208 : i32
    %add3A_103 = vector.broadcast %add3A_102 : i32 to vector<16xi32>
    %add3A_104 = arith.addi %iota3A, %add3A_103 : vector<16xi32>
    %swap3A_105 = arith.constant 2 : i32
    %swap3A_106 = arith.index_cast %swap3A_105 : i32 to index
    %swap3A_107 = arith.constant 48 : index
    %swap3A_108 = tpu.vector_load %arg8[%swap3A_106, %swap3A_107] {strides = array<i32>} : memref<8x80xi32, #tpu.memory_space<vmem>>, vector<16xi32>,
    tpu.vector_store %arg8[%swap3A_106, %swap3A_107], %add3A_104 {strides = array<i32>} : memref<8x80xi32, #tpu.memory_space<vmem>>, vector<16xi32>,
    %add3A_109 = arith.constant 224 : i32
    %add3A_110 = vector.broadcast %add3A_109 : i32 to vector<16xi32>
    %add3A_111 = arith.addi %iota3A, %add3A_110 : vector<16xi32>
    %swap3A_112 = arith.constant 2 : i32
    %swap3A_113 = arith.index_cast %swap3A_112 : i32 to index
    %swap3A_114 = arith.constant 64 : index
    %swap3A_115 = tpu.vector_load %arg8[%swap3A_113, %swap3A_114] {strides = array<i32>} : memref<8x80xi32, #tpu.memory_space<vmem>>, vector<16xi32>,
    tpu.vector_store %arg8[%swap3A_113, %swap3A_114], %add3A_111 {strides = array<i32>} : memref<8x80xi32, #tpu.memory_space<vmem>>, vector<16xi32>,
    %add3A_116 = arith.constant 240 : i32
    %add3A_117 = vector.broadcast %add3A_116 : i32 to vector<16xi32>
    %add3A_118 = arith.addi %iota3A, %add3A_117 : vector<16xi32>
    %swap3A_119 = arith.constant 3 : i32
    %swap3A_120 = arith.index_cast %swap3A_119 : i32 to index
    %swap3A_121 = arith.constant 0 : index
    %swap3A_122 = tpu.vector_load %arg8[%swap3A_120, %swap3A_121] {strides = array<i32>} : memref<8x80xi32, #tpu.memory_space<vmem>>, vector<16xi32>,
    tpu.vector_store %arg8[%swap3A_120, %swap3A_121], %add3A_118 {strides = array<i32>} : memref<8x80xi32, #tpu.memory_space<vmem>>, vector<16xi32>,
    %add3A_123 = arith.constant 256 : i32
    %add3A_124 = vector.broadcast %add3A_123 : i32 to vector<16xi32>
    %add3A_125 = arith.addi %iota3A, %add3A_124 : vector<16xi32>
    %swap3A_126 = arith.constant 3 : i32
    %swap3A_127 = arith.index_cast %swap3A_126 : i32 to index
    %swap3A_128 = arith.constant 16 : index
    %swap3A_129 = tpu.vector_load %arg8[%swap3A_127, %swap3A_128] {strides = array<i32>} : memref<8x80xi32, #tpu.memory_space<vmem>>, vector<16xi32>,
    tpu.vector_store %arg8[%swap3A_127, %swap3A_128], %add3A_125 {strides = array<i32>} : memref<8x80xi32, #tpu.memory_space<vmem>>, vector<16xi32>,
    %add3A_130 = arith.constant 272 : i32
    %add3A_131 = vector.broadcast %add3A_130 : i32 to vector<16xi32>
    %add3A_132 = arith.addi %iota3A, %add3A_131 : vector<16xi32>
    %swap3A_133 = arith.constant 3 : i32
    %swap3A_134 = arith.index_cast %swap3A_133 : i32 to index
    %swap3A_135 = arith.constant 32 : index
    %swap3A_136 = tpu.vector_load %arg8[%swap3A_134, %swap3A_135] {strides = array<i32>} : memref<8x80xi32, #tpu.memory_space<vmem>>, vector<16xi32>,
    tpu.vector_store %arg8[%swap3A_134, %swap3A_135], %add3A_132 {strides = array<i32>} : memref<8x80xi32, #tpu.memory_space<vmem>>, vector<16xi32>,
    %add3A_137 = arith.constant 288 : i32
    %add3A_138 = vector.broadcast %add3A_137 : i32 to vector<16xi32>
    %add3A_139 = arith.addi %iota3A, %add3A_138 : vector<16xi32>
    %swap3A_140 = arith.constant 3 : i32
    %swap3A_141 = arith.index_cast %swap3A_140 : i32 to index
    %swap3A_142 = arith.constant 48 : index
    %swap3A_143 = tpu.vector_load %arg8[%swap3A_141, %swap3A_142] {strides = array<i32>} : memref<8x80xi32, #tpu.memory_space<vmem>>, vector<16xi32>,
    tpu.vector_store %arg8[%swap3A_141, %swap3A_142], %add3A_139 {strides = array<i32>} : memref<8x80xi32, #tpu.memory_space<vmem>>, vector<16xi32>,
    %add3A_144 = arith.constant 304 : i32
    %add3A_145 = vector.broadcast %add3A_144 : i32 to vector<16xi32>
    %add3A_146 = arith.addi %iota3A, %add3A_145 : vector<16xi32>
    %swap3A_147 = arith.constant 3 : i32
    %swap3A_148 = arith.index_cast %swap3A_147 : i32 to index
    %swap3A_149 = arith.constant 64 : index
    %swap3A_150 = tpu.vector_load %arg8[%swap3A_148, %swap3A_149] {strides = array<i32>} : memref<8x80xi32, #tpu.memory_space<vmem>>, vector<16xi32>,
    tpu.vector_store %arg8[%swap3A_148, %swap3A_149], %add3A_146 {strides = array<i32>} : memref<8x80xi32, #tpu.memory_space<vmem>>, vector<16xi32>,
    %add3A_151 = arith.constant 320 : i32
    %add3A_152 = vector.broadcast %add3A_151 : i32 to vector<16xi32>
    %add3A_153 = arith.addi %iota3A, %add3A_152 : vector<16xi32>
    %swap3A_154 = arith.constant 4 : i32
    %swap3A_155 = arith.index_cast %swap3A_154 : i32 to index
    %swap3A_156 = arith.constant 0 : index
    %swap3A_157 = tpu.vector_load %arg8[%swap3A_155, %swap3A_156] {strides = array<i32>} : memref<8x80xi32, #tpu.memory_space<vmem>>, vector<16xi32>,
    tpu.vector_store %arg8[%swap3A_155, %swap3A_156], %add3A_153 {strides = array<i32>} : memref<8x80xi32, #tpu.memory_space<vmem>>, vector<16xi32>,
    %add3A_158 = arith.constant 336 : i32
    %add3A_159 = vector.broadcast %add3A_158 : i32 to vector<16xi32>
    %add3A_160 = arith.addi %iota3A, %add3A_159 : vector<16xi32>
    %swap3A_161 = arith.constant 4 : i32
    %swap3A_162 = arith.index_cast %swap3A_161 : i32 to index
    %swap3A_163 = arith.constant 16 : index
    %swap3A_164 = tpu.vector_load %arg8[%swap3A_162, %swap3A_163] {strides = array<i32>} : memref<8x80xi32, #tpu.memory_space<vmem>>, vector<16xi32>,
    tpu.vector_store %arg8[%swap3A_162, %swap3A_163], %add3A_160 {strides = array<i32>} : memref<8x80xi32, #tpu.memory_space<vmem>>, vector<16xi32>,
    %add3A_165 = arith.constant 352 : i32
    %add3A_166 = vector.broadcast %add3A_165 : i32 to vector<16xi32>
    %add3A_167 = arith.addi %iota3A, %add3A_166 : vector<16xi32>
    %swap3A_168 = arith.constant 4 : i32
    %swap3A_169 = arith.index_cast %swap3A_168 : i32 to index
    %swap3A_170 = arith.constant 32 : index
    %swap3A_171 = tpu.vector_load %arg8[%swap3A_169, %swap3A_170] {strides = array<i32>} : memref<8x80xi32, #tpu.memory_space<vmem>>, vector<16xi32>,
    tpu.vector_store %arg8[%swap3A_169, %swap3A_170], %add3A_167 {strides = array<i32>} : memref<8x80xi32, #tpu.memory_space<vmem>>, vector<16xi32>,
    %add3A_172 = arith.constant 368 : i32
    %add3A_173 = vector.broadcast %add3A_172 : i32 to vector<16xi32>
    %add3A_174 = arith.addi %iota3A, %add3A_173 : vector<16xi32>
    %swap3A_175 = arith.constant 4 : i32
    %swap3A_176 = arith.index_cast %swap3A_175 : i32 to index
    %swap3A_177 = arith.constant 48 : index
    %swap3A_178 = tpu.vector_load %arg8[%swap3A_176, %swap3A_177] {strides = array<i32>} : memref<8x80xi32, #tpu.memory_space<vmem>>, vector<16xi32>,
    tpu.vector_store %arg8[%swap3A_176, %swap3A_177], %add3A_174 {strides = array<i32>} : memref<8x80xi32, #tpu.memory_space<vmem>>, vector<16xi32>,
    %add3A_179 = arith.constant 384 : i32
    %add3A_180 = vector.broadcast %add3A_179 : i32 to vector<16xi32>
    %add3A_181 = arith.addi %iota3A, %add3A_180 : vector<16xi32>
    %swap3A_182 = arith.constant 4 : i32
    %swap3A_183 = arith.index_cast %swap3A_182 : i32 to index
    %swap3A_184 = arith.constant 64 : index
    %swap3A_185 = tpu.vector_load %arg8[%swap3A_183, %swap3A_184] {strides = array<i32>} : memref<8x80xi32, #tpu.memory_space<vmem>>, vector<16xi32>,
    tpu.vector_store %arg8[%swap3A_183, %swap3A_184], %add3A_181 {strides = array<i32>} : memref<8x80xi32, #tpu.memory_space<vmem>>, vector<16xi32>,
    %add3A_186 = arith.constant 400 : i32
    %add3A_187 = vector.broadcast %add3A_186 : i32 to vector<16xi32>
    %add3A_188 = arith.addi %iota3A, %add3A_187 : vector<16xi32>
    %swap3A_189 = arith.constant 5 : i32
    %swap3A_190 = arith.index_cast %swap3A_189 : i32 to index
    %swap3A_191 = arith.constant 0 : index
    %swap3A_192 = tpu.vector_load %arg8[%swap3A_190, %swap3A_191] {strides = array<i32>} : memref<8x80xi32, #tpu.memory_space<vmem>>, vector<16xi32>,
    tpu.vector_store %arg8[%swap3A_190, %swap3A_191], %add3A_188 {strides = array<i32>} : memref<8x80xi32, #tpu.memory_space<vmem>>, vector<16xi32>,
    %add3A_193 = arith.constant 416 : i32
    %add3A_194 = vector.broadcast %add3A_193 : i32 to vector<16xi32>
    %add3A_195 = arith.addi %iota3A, %add3A_194 : vector<16xi32>
    %swap3A_196 = arith.constant 5 : i32
    %swap3A_197 = arith.index_cast %swap3A_196 : i32 to index
    %swap3A_198 = arith.constant 16 : index
    %swap3A_199 = tpu.vector_load %arg8[%swap3A_197, %swap3A_198] {strides = array<i32>} : memref<8x80xi32, #tpu.memory_space<vmem>>, vector<16xi32>,
    tpu.vector_store %arg8[%swap3A_197, %swap3A_198], %add3A_195 {strides = array<i32>} : memref<8x80xi32, #tpu.memory_space<vmem>>, vector<16xi32>,
    %add3A_200 = arith.constant 432 : i32
    %add3A_201 = vector.broadcast %add3A_200 : i32 to vector<16xi32>
    %add3A_202 = arith.addi %iota3A, %add3A_201 : vector<16xi32>
    %swap3A_203 = arith.constant 5 : i32
    %swap3A_204 = arith.index_cast %swap3A_203 : i32 to index
    %swap3A_205 = arith.constant 32 : index
    %swap3A_206 = tpu.vector_load %arg8[%swap3A_204, %swap3A_205] {strides = array<i32>} : memref<8x80xi32, #tpu.memory_space<vmem>>, vector<16xi32>,
    tpu.vector_store %arg8[%swap3A_204, %swap3A_205], %add3A_202 {strides = array<i32>} : memref<8x80xi32, #tpu.memory_space<vmem>>, vector<16xi32>,
    %add3A_207 = arith.constant 448 : i32
    %add3A_208 = vector.broadcast %add3A_207 : i32 to vector<16xi32>
    %add3A_209 = arith.addi %iota3A, %add3A_208 : vector<16xi32>
    %swap3A_210 = arith.constant 5 : i32
    %swap3A_211 = arith.index_cast %swap3A_210 : i32 to index
    %swap3A_212 = arith.constant 48 : index
    %swap3A_213 = tpu.vector_load %arg8[%swap3A_211, %swap3A_212] {strides = array<i32>} : memref<8x80xi32, #tpu.memory_space<vmem>>, vector<16xi32>,
    tpu.vector_store %arg8[%swap3A_211, %swap3A_212], %add3A_209 {strides = array<i32>} : memref<8x80xi32, #tpu.memory_space<vmem>>, vector<16xi32>,
    %add3A_214 = arith.constant 464 : i32
    %add3A_215 = vector.broadcast %add3A_214 : i32 to vector<16xi32>
    %add3A_216 = arith.addi %iota3A, %add3A_215 : vector<16xi32>
    %swap3A_217 = arith.constant 5 : i32
    %swap3A_218 = arith.index_cast %swap3A_217 : i32 to index
    %swap3A_219 = arith.constant 64 : index
    %swap3A_220 = tpu.vector_load %arg8[%swap3A_218, %swap3A_219] {strides = array<i32>} : memref<8x80xi32, #tpu.memory_space<vmem>>, vector<16xi32>,
    tpu.vector_store %arg8[%swap3A_218, %swap3A_219], %add3A_216 {strides = array<i32>} : memref<8x80xi32, #tpu.memory_space<vmem>>, vector<16xi32>,
    %add3A_221 = arith.constant 480 : i32
    %add3A_222 = vector.broadcast %add3A_221 : i32 to vector<16xi32>
    %add3A_223 = arith.addi %iota3A, %add3A_222 : vector<16xi32>
    %swap3A_224 = arith.constant 6 : i32
    %swap3A_225 = arith.index_cast %swap3A_224 : i32 to index
    %swap3A_226 = arith.constant 0 : index
    %swap3A_227 = tpu.vector_load %arg8[%swap3A_225, %swap3A_226] {strides = array<i32>} : memref<8x80xi32, #tpu.memory_space<vmem>>, vector<16xi32>,
    tpu.vector_store %arg8[%swap3A_225, %swap3A_226], %add3A_223 {strides = array<i32>} : memref<8x80xi32, #tpu.memory_space<vmem>>, vector<16xi32>,
    %add3A_228 = arith.constant 496 : i32
    %add3A_229 = vector.broadcast %add3A_228 : i32 to vector<16xi32>
    %add3A_230 = arith.addi %iota3A, %add3A_229 : vector<16xi32>
    %swap3A_231 = arith.constant 6 : i32
    %swap3A_232 = arith.index_cast %swap3A_231 : i32 to index
    %swap3A_233 = arith.constant 16 : index
    %swap3A_234 = tpu.vector_load %arg8[%swap3A_232, %swap3A_233] {strides = array<i32>} : memref<8x80xi32, #tpu.memory_space<vmem>>, vector<16xi32>,
    tpu.vector_store %arg8[%swap3A_232, %swap3A_233], %add3A_230 {strides = array<i32>} : memref<8x80xi32, #tpu.memory_space<vmem>>, vector<16xi32>,
    %add3A_235 = arith.constant 512 : i32
    %add3A_236 = vector.broadcast %add3A_235 : i32 to vector<16xi32>
    %add3A_237 = arith.addi %iota3A, %add3A_236 : vector<16xi32>
    %swap3A_238 = arith.constant 6 : i32
    %swap3A_239 = arith.index_cast %swap3A_238 : i32 to index
    %swap3A_240 = arith.constant 32 : index
    %swap3A_241 = tpu.vector_load %arg8[%swap3A_239, %swap3A_240] {strides = array<i32>} : memref<8x80xi32, #tpu.memory_space<vmem>>, vector<16xi32>,
    tpu.vector_store %arg8[%swap3A_239, %swap3A_240], %add3A_237 {strides = array<i32>} : memref<8x80xi32, #tpu.memory_space<vmem>>, vector<16xi32>,
    %add3A_242 = arith.constant 528 : i32
    %add3A_243 = vector.broadcast %add3A_242 : i32 to vector<16xi32>
    %add3A_244 = arith.addi %iota3A, %add3A_243 : vector<16xi32>
    %swap3A_245 = arith.constant 6 : i32
    %swap3A_246 = arith.index_cast %swap3A_245 : i32 to index
    %swap3A_247 = arith.constant 48 : index
    %swap3A_248 = tpu.vector_load %arg8[%swap3A_246, %swap3A_247] {strides = array<i32>} : memref<8x80xi32, #tpu.memory_space<vmem>>, vector<16xi32>,
    tpu.vector_store %arg8[%swap3A_246, %swap3A_247], %add3A_244 {strides = array<i32>} : memref<8x80xi32, #tpu.memory_space<vmem>>, vector<16xi32>,
    %add3A_249 = arith.constant 544 : i32
    %add3A_250 = vector.broadcast %add3A_249 : i32 to vector<16xi32>
    %add3A_251 = arith.addi %iota3A, %add3A_250 : vector<16xi32>
    %swap3A_252 = arith.constant 6 : i32
    %swap3A_253 = arith.index_cast %swap3A_252 : i32 to index
    %swap3A_254 = arith.constant 64 : index
    %swap3A_255 = tpu.vector_load %arg8[%swap3A_253, %swap3A_254] {strides = array<i32>} : memref<8x80xi32, #tpu.memory_space<vmem>>, vector<16xi32>,
    tpu.vector_store %arg8[%swap3A_253, %swap3A_254], %add3A_251 {strides = array<i32>} : memref<8x80xi32, #tpu.memory_space<vmem>>, vector<16xi32>,
    %add3A_256 = arith.constant 560 : i32
    %add3A_257 = vector.broadcast %add3A_256 : i32 to vector<16xi32>
    %add3A_258 = arith.addi %iota3A, %add3A_257 : vector<16xi32>
    %swap3A_259 = arith.constant 7 : i32
    %swap3A_260 = arith.index_cast %swap3A_259 : i32 to index
    %swap3A_261 = arith.constant 0 : index
    %swap3A_262 = tpu.vector_load %arg8[%swap3A_260, %swap3A_261] {strides = array<i32>} : memref<8x80xi32, #tpu.memory_space<vmem>>, vector<16xi32>,
    tpu.vector_store %arg8[%swap3A_260, %swap3A_261], %add3A_258 {strides = array<i32>} : memref<8x80xi32, #tpu.memory_space<vmem>>, vector<16xi32>,
    %add3A_263 = arith.constant 576 : i32
    %add3A_264 = vector.broadcast %add3A_263 : i32 to vector<16xi32>
    %add3A_265 = arith.addi %iota3A, %add3A_264 : vector<16xi32>
    %swap3A_266 = arith.constant 7 : i32
    %swap3A_267 = arith.index_cast %swap3A_266 : i32 to index
    %swap3A_268 = arith.constant 16 : index
    %swap3A_269 = tpu.vector_load %arg8[%swap3A_267, %swap3A_268] {strides = array<i32>} : memref<8x80xi32, #tpu.memory_space<vmem>>, vector<16xi32>,
    tpu.vector_store %arg8[%swap3A_267, %swap3A_268], %add3A_265 {strides = array<i32>} : memref<8x80xi32, #tpu.memory_space<vmem>>, vector<16xi32>,
    %add3A_270 = arith.constant 592 : i32
    %add3A_271 = vector.broadcast %add3A_270 : i32 to vector<16xi32>
    %add3A_272 = arith.addi %iota3A, %add3A_271 : vector<16xi32>
    %swap3A_273 = arith.constant 7 : i32
    %swap3A_274 = arith.index_cast %swap3A_273 : i32 to index
    %swap3A_275 = arith.constant 32 : index
    %swap3A_276 = tpu.vector_load %arg8[%swap3A_274, %swap3A_275] {strides = array<i32>} : memref<8x80xi32, #tpu.memory_space<vmem>>, vector<16xi32>,
    tpu.vector_store %arg8[%swap3A_274, %swap3A_275], %add3A_272 {strides = array<i32>} : memref<8x80xi32, #tpu.memory_space<vmem>>, vector<16xi32>,
    %add3A_277 = arith.constant 608 : i32
    %add3A_278 = vector.broadcast %add3A_277 : i32 to vector<16xi32>
    %add3A_279 = arith.addi %iota3A, %add3A_278 : vector<16xi32>
    %swap3A_280 = arith.constant 7 : i32
    %swap3A_281 = arith.index_cast %swap3A_280 : i32 to index
    %swap3A_282 = arith.constant 48 : index
    %swap3A_283 = tpu.vector_load %arg8[%swap3A_281, %swap3A_282] {strides = array<i32>} : memref<8x80xi32, #tpu.memory_space<vmem>>, vector<16xi32>,
    tpu.vector_store %arg8[%swap3A_281, %swap3A_282], %add3A_279 {strides = array<i32>} : memref<8x80xi32, #tpu.memory_space<vmem>>, vector<16xi32>,
    %add3A_284 = arith.constant 624 : i32
    %add3A_285 = vector.broadcast %add3A_284 : i32 to vector<16xi32>
    %add3A_286 = arith.addi %iota3A, %add3A_285 : vector<16xi32>
    %swap3A_287 = arith.constant 7 : i32
    %swap3A_288 = arith.index_cast %swap3A_287 : i32 to index
    %swap3A_289 = arith.constant 64 : index
    %swap3A_290 = tpu.vector_load %arg8[%swap3A_288, %swap3A_289] {strides = array<i32>} : memref<8x80xi32, #tpu.memory_space<vmem>>, vector<16xi32>,
    tpu.vector_store %arg8[%swap3A_288, %swap3A_289], %add3A_286 {strides = array<i32>} : memref<8x80xi32, #tpu.memory_space<vmem>>, vector<16xi32>,
    %mul3A_291 = arith.constant 40 : i32
    %mul3A_292 = arith.muli %arg1, %mul3A_291 : i32
    "tpu.region"() ({
      %run_scoped3A_319 = tpu.sem_alloc : memref<!tpu.dma_semaphore, #tpu.memory_space<semaphore_mem>>
      %dma_start3A = arith.constant 0 : i32
      %dma_start3A_320 = arith.constant 0 : i32
      %dma_start3A_321 = tpu.memref_slice %arg7[%dma_start3A, %dma_start3A_320] : memref<640x16xf32, #tpu.memory_space<vmem>> -> memref<40x16xf32, #tpu.memory_space<vmem>>
      %dma_start3A_322 = arith.constant 0 : i32
      %dma_start3A_323 = tpu.memref_slice %arg9[%mul3A_292, %dma_start3A_322] : memref<640x16xf32, #tpu.memory_space<vmem_shared>> -> memref<40x16xf32, #tpu.memory_space<vmem_shared>>
      %dma_start3A_324 = arith.constant 0 : i32
      %dma_start3A_325 = tpu.memref_slice %arg9[%mul3A_292, %dma_start3A_324] : memref<640x16xf32, #tpu.memory_space<vmem_shared>> -> memref<40x16xf32, #tpu.memory_space<vmem_shared>>
      %dma_start3A_326 = arith.constant 0 : i32
      %dma_start3A_327 = arith.constant 0 : i32
      %dma_start3A_328 = tpu.memref_slice %arg7[%dma_start3A_326, %dma_start3A_327] : memref<640x16xf32, #tpu.memory_space<vmem>> -> memref<40x16xf32, #tpu.memory_space<vmem>>
      tpu.enqueue_dma source(%dma_start3A_328 : memref<40x16xf32, #tpu.memory_space<vmem>>) target(%dma_start3A_325 : memref<40x16xf32, #tpu.memory_space<vmem_shared>>) target_semaphore(%run_scoped3A_319 : memref<!tpu.dma_semaphore, #tpu.memory_space<semaphore_mem>>)
      %dma_wait3A = arith.constant 0 : i32
      %dma_wait3A_329 = arith.constant 0 : i32
      %dma_wait3A_330 = tpu.memref_slice %arg7[%dma_wait3A, %dma_wait3A_329] : memref<640x16xf32, #tpu.memory_space<vmem>> -> memref<40x16xf32, #tpu.memory_space<vmem>>
      %dma_wait3A_331 = arith.constant 0 : i32
      %dma_wait3A_332 = tpu.memref_slice %arg9[%mul3A_292, %dma_wait3A_331] : memref<640x16xf32, #tpu.memory_space<vmem_shared>> -> memref<40x16xf32, #tpu.memory_space<vmem_shared>>
      %dma_wait3A_333 = arith.constant 0 : i32
      %dma_wait3A_334 = tpu.memref_slice %arg9[%mul3A_292, %dma_wait3A_333] : memref<640x16xf32, #tpu.memory_space<vmem_shared>> -> memref<40x16xf32, #tpu.memory_space<vmem_shared>>
      %dma_wait3A_335 = arith.constant 0 : i32
      %dma_wait3A_336 = arith.constant 0 : i32
      %dma_wait3A_337 = tpu.memref_slice %arg7[%dma_wait3A_335, %dma_wait3A_336] : memref<640x16xf32, #tpu.memory_space<vmem>> -> memref<40x16xf32, #tpu.memory_space<vmem>>
      tpu.wait_dma2 semaphore(%run_scoped3A_319 : memref<!tpu.dma_semaphore, #tpu.memory_space<semaphore_mem>>) src(%dma_wait3A_337 : memref<40x16xf32, #tpu.memory_space<vmem>>) dst(%dma_wait3A_334 : memref<40x16xf32, #tpu.memory_space<vmem_shared>>)
      tpu.yield
    }) : () -> ()
    %barrier3A = arith.constant 0 : index
    tpu.barrier barrier_id(%barrier3A)
    %scan3A_293 = arith.constant 0 : i32
    %scan3A_294 = arith.constant 0 : i32
    %scan3A_295 = arith.constant 80 : i32
    %scan3A_296 = arith.addi %scan3A_294, %scan3A_295 : i32
    %scan3A_297 = arith.constant 1 : i32
    %scan3A_298 = scf.for %scan3A_319 = %scan3A_294 to %scan3A_296 step %scan3A_297 iter_args(%scan3A_320 = %scan3A_293) -> (i32)  : i32 {
      %get3A = arith.index_cast %scan3A_319 : i32 to index
      %get3A_321 = arith.constant 0 : index
      %get3A_322 = tpu.vector_load %arg4[%get3A, %get3A_321] {strides = array<i32>} : memref<80x128xi32, #tpu.memory_space<vmem>>, vector<16xi32>,
      tpu.vector_store_idx %arg5[%get3A_322], %broadcast_in_dim3A_1 {add = true} : memref<10240xf32, #tpu.memory_space<vmem>>[vector<16xi32>], vector<16xf32>,
      %get3A_323 = arith.index_cast %scan3A_319 : i32 to index
      %get3A_324 = arith.constant 16 : index
      %get3A_325 = tpu.vector_load %arg4[%get3A_323, %get3A_324] {strides = array<i32>} : memref<80x128xi32, #tpu.memory_space<vmem>>, vector<16xi32>,
      tpu.vector_store_idx %arg5[%get3A_325], %broadcast_in_dim3A_1 {add = true} : memref<10240xf32, #tpu.memory_space<vmem>>[vector<16xi32>], vector<16xf32>,
      %get3A_326 = arith.index_cast %scan3A_319 : i32 to index
      %get3A_327 = arith.constant 32 : index
      %get3A_328 = tpu.vector_load %arg4[%get3A_326, %get3A_327] {strides = array<i32>} : memref<80x128xi32, #tpu.memory_space<vmem>>, vector<16xi32>,
      tpu.vector_store_idx %arg5[%get3A_328], %broadcast_in_dim3A_1 {add = true} : memref<10240xf32, #tpu.memory_space<vmem>>[vector<16xi32>], vector<16xf32>,
      %get3A_329 = arith.index_cast %scan3A_319 : i32 to index
      %get3A_330 = arith.constant 48 : index
      %get3A_331 = tpu.vector_load %arg4[%get3A_329, %get3A_330] {strides = array<i32>} : memref<80x128xi32, #tpu.memory_space<vmem>>, vector<16xi32>,
      tpu.vector_store_idx %arg5[%get3A_331], %broadcast_in_dim3A_1 {add = true} : memref<10240xf32, #tpu.memory_space<vmem>>[vector<16xi32>], vector<16xf32>,
      %get3A_332 = arith.index_cast %scan3A_319 : i32 to index
      %get3A_333 = arith.constant 64 : index
      %get3A_334 = tpu.vector_load %arg4[%get3A_332, %get3A_333] {strides = array<i32>} : memref<80x128xi32, #tpu.memory_space<vmem>>, vector<16xi32>,
      tpu.vector_store_idx %arg5[%get3A_334], %broadcast_in_dim3A_1 {add = true} : memref<10240xf32, #tpu.memory_space<vmem>>[vector<16xi32>], vector<16xf32>,
      %get3A_335 = arith.index_cast %scan3A_319 : i32 to index
      %get3A_336 = arith.constant 80 : index
      %get3A_337 = tpu.vector_load %arg4[%get3A_335, %get3A_336] {strides = array<i32>} : memref<80x128xi32, #tpu.memory_space<vmem>>, vector<16xi32>,
      tpu.vector_store_idx %arg5[%get3A_337], %broadcast_in_dim3A_1 {add = true} : memref<10240xf32, #tpu.memory_space<vmem>>[vector<16xi32>], vector<16xf32>,
      %get3A_338 = arith.index_cast %scan3A_319 : i32 to index
      %get3A_339 = arith.constant 96 : index
      %get3A_340 = tpu.vector_load %arg4[%get3A_338, %get3A_339] {strides = array<i32>} : memref<80x128xi32, #tpu.memory_space<vmem>>, vector<16xi32>,
      tpu.vector_store_idx %arg5[%get3A_340], %broadcast_in_dim3A_1 {add = true} : memref<10240xf32, #tpu.memory_space<vmem>>[vector<16xi32>], vector<16xf32>,
      %get3A_341 = arith.index_cast %scan3A_319 : i32 to index
      %get3A_342 = arith.constant 112 : index
      %get3A_343 = tpu.vector_load %arg4[%get3A_341, %get3A_342] {strides = array<i32>} : memref<80x128xi32, #tpu.memory_space<vmem>>, vector<16xi32>,
      tpu.vector_store_idx %arg5[%get3A_343], %broadcast_in_dim3A_1 {add = true} : memref<10240xf32, #tpu.memory_space<vmem>>[vector<16xi32>], vector<16xf32>,
      %scan3A_344 = arith.constant 0 : i32
      scf.yield %scan3A_344 : i32
    }
    %scan3A_299 = arith.constant 80 : i32
    %scan3A_300 = arith.constant 0 : i32
    %scan3A_301 = arith.constant 0 : i32
    %scan3A_302 = arith.constant 640 : i32
    %scan3A_303 = arith.addi %scan3A_301, %scan3A_302 : i32
    %scan3A_304 = arith.constant 1 : i32
    %scan3A_305 = scf.for %scan3A_319 = %scan3A_301 to %scan3A_303 step %scan3A_304 iter_args(%scan3A_320 = %scan3A_300) -> (i32)  : i32 {
      %mul3A_321 = arith.constant 16 : i32
      %mul3A_322 = arith.muli %scan3A_319, %mul3A_321 : i32
      %get3A = arith.index_cast %mul3A_322 : i32 to index
      %get3A_323 = tpu.vector_load %arg5[%get3A] {strides = array<i32>} : memref<10240xf32, #tpu.memory_space<vmem>>, vector<16xf32>,
      %swap3A_324 = arith.index_cast %scan3A_319 : i32 to index
      %swap3A_325 = arith.constant 0 : index
      %swap3A_326 = tpu.vector_load %arg6[%swap3A_324, %swap3A_325] {strides = array<i32>} : memref<640x16xf32, #tpu.memory_space<vmem>>, vector<16xf32>,
      tpu.vector_store %arg6[%swap3A_324, %swap3A_325], %get3A_323 {strides = array<i32>} : memref<640x16xf32, #tpu.memory_space<vmem>>, vector<16xf32>,
      %scan3A_327 = arith.constant 0 : i32
      scf.yield %scan3A_327 : i32
    }
    %scan3A_306 = arith.constant 640 : i32
    %run_scoped3A = arith.constant 0 : i32
    "tpu.region"() ({
      %run_scoped3A_319 = tpu.sem_alloc : memref<!tpu.dma_semaphore, #tpu.memory_space<semaphore_mem>>
      %dma_start3A = arith.constant 0 : i32
      %dma_start3A_320 = arith.constant 0 : i32
      %dma_start3A_321 = tpu.memref_slice %arg6[%dma_start3A, %dma_start3A_320] : memref<640x16xf32, #tpu.memory_space<vmem>> -> memref<80x16xf32, #tpu.memory_space<vmem>>
      %dma_start3A_322 = arith.constant 0 : i32
      %dma_start3A_323 = tpu.memref_slice %arg8[%run_scoped3A, %dma_start3A_322] : memref<8x80xi32, #tpu.memory_space<vmem>> -> memref<1x80xi32, #tpu.memory_space<vmem>>
      %dma_start3A_324 = tpu.memref_squeeze %dma_start3A_323 : memref<1x80xi32, #tpu.memory_space<vmem>> -> memref<80xi32, #tpu.memory_space<vmem>>
      %dma_start3A_325 = arith.constant 0 : i32
      %dma_start3A_326 = arith.constant 0 : i32
      %dma_start3A_327 = tpu.memref_slice %arg9[%dma_start3A_325, %dma_start3A_326] : memref<640x16xf32, #tpu.memory_space<vmem_shared>> -> memref<640x16xf32, #tpu.memory_space<vmem_shared>>
      tpu.enqueue_indirect_dma source(%dma_start3A_321 : memref<80x16xf32, #tpu.memory_space<vmem>>) target(%dma_start3A_327 : memref<640x16xf32, #tpu.memory_space<vmem_shared>>) offsets(%dma_start3A_324 : memref<80xi32, #tpu.memory_space<vmem>>) semaphore(%run_scoped3A_319 : memref<!tpu.dma_semaphore, #tpu.memory_space<semaphore_mem>>) {add = true}
      %dma_wait3A = arith.constant 0 : i32
      %dma_wait3A_328 = arith.constant 0 : i32
      %dma_wait3A_329 = tpu.memref_slice %arg6[%dma_wait3A, %dma_wait3A_328] : memref<640x16xf32, #tpu.memory_space<vmem>> -> memref<80x16xf32, #tpu.memory_space<vmem>>
      %dma_wait3A_330 = arith.constant 0 : i32
      %dma_wait3A_331 = tpu.memref_slice %arg8[%run_scoped3A, %dma_wait3A_330] : memref<8x80xi32, #tpu.memory_space<vmem>> -> memref<1x80xi32, #tpu.memory_space<vmem>>
      %dma_wait3A_332 = tpu.memref_squeeze %dma_wait3A_331 : memref<1x80xi32, #tpu.memory_space<vmem>> -> memref<80xi32, #tpu.memory_space<vmem>>
      %dma_wait3A_333 = arith.constant 0 : i32
      %dma_wait3A_334 = arith.constant 0 : i32
      %dma_wait3A_335 = tpu.memref_slice %arg9[%dma_wait3A_333, %dma_wait3A_334] : memref<640x16xf32, #tpu.memory_space<vmem_shared>> -> memref<640x16xf32, #tpu.memory_space<vmem_shared>>
      tpu.wait_indirect_dma semaphore(%run_scoped3A_319 : memref<!tpu.dma_semaphore, #tpu.memory_space<semaphore_mem>>) src(%dma_wait3A_329 : memref<80x16xf32, #tpu.memory_space<vmem>>) dst(%dma_wait3A_335 : memref<640x16xf32, #tpu.memory_space<vmem_shared>>)
      tpu.yield
    }) : () -> ()
    %run_scoped3A_307 = arith.constant 1 : i32
    "tpu.region"() ({
      %run_scoped3A_319 = tpu.sem_alloc : memref<!tpu.dma_semaphore, #tpu.memory_space<semaphore_mem>>
      %dma_start3A = arith.constant 80 : i32
      %dma_start3A_320 = arith.constant 0 : i32
      %dma_start3A_321 = tpu.memref_slice %arg6[%dma_start3A, %dma_start3A_320] : memref<640x16xf32, #tpu.memory_space<vmem>> -> memref<80x16xf32, #tpu.memory_space<vmem>>
      %dma_start3A_322 = arith.constant 0 : i32
      %dma_start3A_323 = tpu.memref_slice %arg8[%run_scoped3A_307, %dma_start3A_322] : memref<8x80xi32, #tpu.memory_space<vmem>> -> memref<1x80xi32, #tpu.memory_space<vmem>>
      %dma_start3A_324 = tpu.memref_squeeze %dma_start3A_323 : memref<1x80xi32, #tpu.memory_space<vmem>> -> memref<80xi32, #tpu.memory_space<vmem>>
      %dma_start3A_325 = arith.constant 0 : i32
      %dma_start3A_326 = arith.constant 0 : i32
      %dma_start3A_327 = tpu.memref_slice %arg9[%dma_start3A_325, %dma_start3A_326] : memref<640x16xf32, #tpu.memory_space<vmem_shared>> -> memref<640x16xf32, #tpu.memory_space<vmem_shared>>
      tpu.enqueue_indirect_dma source(%dma_start3A_321 : memref<80x16xf32, #tpu.memory_space<vmem>>) target(%dma_start3A_327 : memref<640x16xf32, #tpu.memory_space<vmem_shared>>) offsets(%dma_start3A_324 : memref<80xi32, #tpu.memory_space<vmem>>) semaphore(%run_scoped3A_319 : memref<!tpu.dma_semaphore, #tpu.memory_space<semaphore_mem>>) {add = true}
      %dma_wait3A = arith.constant 80 : i32
      %dma_wait3A_328 = arith.constant 0 : i32
      %dma_wait3A_329 = tpu.memref_slice %arg6[%dma_wait3A, %dma_wait3A_328] : memref<640x16xf32, #tpu.memory_space<vmem>> -> memref<80x16xf32, #tpu.memory_space<vmem>>
      %dma_wait3A_330 = arith.constant 0 : i32
      %dma_wait3A_331 = tpu.memref_slice %arg8[%run_scoped3A_307, %dma_wait3A_330] : memref<8x80xi32, #tpu.memory_space<vmem>> -> memref<1x80xi32, #tpu.memory_space<vmem>>
      %dma_wait3A_332 = tpu.memref_squeeze %dma_wait3A_331 : memref<1x80xi32, #tpu.memory_space<vmem>> -> memref<80xi32, #tpu.memory_space<vmem>>
      %dma_wait3A_333 = arith.constant 0 : i32
      %dma_wait3A_334 = arith.constant 0 : i32
      %dma_wait3A_335 = tpu.memref_slice %arg9[%dma_wait3A_333, %dma_wait3A_334] : memref<640x16xf32, #tpu.memory_space<vmem_shared>> -> memref<640x16xf32, #tpu.memory_space<vmem_shared>>
      tpu.wait_indirect_dma semaphore(%run_scoped3A_319 : memref<!tpu.dma_semaphore, #tpu.memory_space<semaphore_mem>>) src(%dma_wait3A_329 : memref<80x16xf32, #tpu.memory_space<vmem>>) dst(%dma_wait3A_335 : memref<640x16xf32, #tpu.memory_space<vmem_shared>>)
      tpu.yield
    }) : () -> ()
    %run_scoped3A_308 = arith.constant 2 : i32
    "tpu.region"() ({
      %run_scoped3A_319 = tpu.sem_alloc : memref<!tpu.dma_semaphore, #tpu.memory_space<semaphore_mem>>
      %dma_start3A = arith.constant 160 : i32
      %dma_start3A_320 = arith.constant 0 : i32
      %dma_start3A_321 = tpu.memref_slice %arg6[%dma_start3A, %dma_start3A_320] : memref<640x16xf32, #tpu.memory_space<vmem>> -> memref<80x16xf32, #tpu.memory_space<vmem>>
      %dma_start3A_322 = arith.constant 0 : i32
      %dma_start3A_323 = tpu.memref_slice %arg8[%run_scoped3A_308, %dma_start3A_322] : memref<8x80xi32, #tpu.memory_space<vmem>> -> memref<1x80xi32, #tpu.memory_space<vmem>>
      %dma_start3A_324 = tpu.memref_squeeze %dma_start3A_323 : memref<1x80xi32, #tpu.memory_space<vmem>> -> memref<80xi32, #tpu.memory_space<vmem>>
      %dma_start3A_325 = arith.constant 0 : i32
      %dma_start3A_326 = arith.constant 0 : i32
      %dma_start3A_327 = tpu.memref_slice %arg9[%dma_start3A_325, %dma_start3A_326] : memref<640x16xf32, #tpu.memory_space<vmem_shared>> -> memref<640x16xf32, #tpu.memory_space<vmem_shared>>
      tpu.enqueue_indirect_dma source(%dma_start3A_321 : memref<80x16xf32, #tpu.memory_space<vmem>>) target(%dma_start3A_327 : memref<640x16xf32, #tpu.memory_space<vmem_shared>>) offsets(%dma_start3A_324 : memref<80xi32, #tpu.memory_space<vmem>>) semaphore(%run_scoped3A_319 : memref<!tpu.dma_semaphore, #tpu.memory_space<semaphore_mem>>) {add = true}
      %dma_wait3A = arith.constant 160 : i32
      %dma_wait3A_328 = arith.constant 0 : i32
      %dma_wait3A_329 = tpu.memref_slice %arg6[%dma_wait3A, %dma_wait3A_328] : memref<640x16xf32, #tpu.memory_space<vmem>> -> memref<80x16xf32, #tpu.memory_space<vmem>>
      %dma_wait3A_330 = arith.constant 0 : i32
      %dma_wait3A_331 = tpu.memref_slice %arg8[%run_scoped3A_308, %dma_wait3A_330] : memref<8x80xi32, #tpu.memory_space<vmem>> -> memref<1x80xi32, #tpu.memory_space<vmem>>
      %dma_wait3A_332 = tpu.memref_squeeze %dma_wait3A_331 : memref<1x80xi32, #tpu.memory_space<vmem>> -> memref<80xi32, #tpu.memory_space<vmem>>
      %dma_wait3A_333 = arith.constant 0 : i32
      %dma_wait3A_334 = arith.constant 0 : i32
      %dma_wait3A_335 = tpu.memref_slice %arg9[%dma_wait3A_333, %dma_wait3A_334] : memref<640x16xf32, #tpu.memory_space<vmem_shared>> -> memref<640x16xf32, #tpu.memory_space<vmem_shared>>
      tpu.wait_indirect_dma semaphore(%run_scoped3A_319 : memref<!tpu.dma_semaphore, #tpu.memory_space<semaphore_mem>>) src(%dma_wait3A_329 : memref<80x16xf32, #tpu.memory_space<vmem>>) dst(%dma_wait3A_335 : memref<640x16xf32, #tpu.memory_space<vmem_shared>>)
      tpu.yield
    }) : () -> ()
    %run_scoped3A_309 = arith.constant 3 : i32
    "tpu.region"() ({
      %run_scoped3A_319 = tpu.sem_alloc : memref<!tpu.dma_semaphore, #tpu.memory_space<semaphore_mem>>
      %dma_start3A = arith.constant 240 : i32
      %dma_start3A_320 = arith.constant 0 : i32
      %dma_start3A_321 = tpu.memref_slice %arg6[%dma_start3A, %dma_start3A_320] : memref<640x16xf32, #tpu.memory_space<vmem>> -> memref<80x16xf32, #tpu.memory_space<vmem>>
      %dma_start3A_322 = arith.constant 0 : i32
      %dma_start3A_323 = tpu.memref_slice %arg8[%run_scoped3A_309, %dma_start3A_322] : memref<8x80xi32, #tpu.memory_space<vmem>> -> memref<1x80xi32, #tpu.memory_space<vmem>>
      %dma_start3A_324 = tpu.memref_squeeze %dma_start3A_323 : memref<1x80xi32, #tpu.memory_space<vmem>> -> memref<80xi32, #tpu.memory_space<vmem>>
      %dma_start3A_325 = arith.constant 0 : i32
      %dma_start3A_326 = arith.constant 0 : i32
      %dma_start3A_327 = tpu.memref_slice %arg9[%dma_start3A_325, %dma_start3A_326] : memref<640x16xf32, #tpu.memory_space<vmem_shared>> -> memref<640x16xf32, #tpu.memory_space<vmem_shared>>
      tpu.enqueue_indirect_dma source(%dma_start3A_321 : memref<80x16xf32, #tpu.memory_space<vmem>>) target(%dma_start3A_327 : memref<640x16xf32, #tpu.memory_space<vmem_shared>>) offsets(%dma_start3A_324 : memref<80xi32, #tpu.memory_space<vmem>>) semaphore(%run_scoped3A_319 : memref<!tpu.dma_semaphore, #tpu.memory_space<semaphore_mem>>) {add = true}
      %dma_wait3A = arith.constant 240 : i32
      %dma_wait3A_328 = arith.constant 0 : i32
      %dma_wait3A_329 = tpu.memref_slice %arg6[%dma_wait3A, %dma_wait3A_328] : memref<640x16xf32, #tpu.memory_space<vmem>> -> memref<80x16xf32, #tpu.memory_space<vmem>>
      %dma_wait3A_330 = arith.constant 0 : i32
      %dma_wait3A_331 = tpu.memref_slice %arg8[%run_scoped3A_309, %dma_wait3A_330] : memref<8x80xi32, #tpu.memory_space<vmem>> -> memref<1x80xi32, #tpu.memory_space<vmem>>
      %dma_wait3A_332 = tpu.memref_squeeze %dma_wait3A_331 : memref<1x80xi32, #tpu.memory_space<vmem>> -> memref<80xi32, #tpu.memory_space<vmem>>
      %dma_wait3A_333 = arith.constant 0 : i32
      %dma_wait3A_334 = arith.constant 0 : i32
      %dma_wait3A_335 = tpu.memref_slice %arg9[%dma_wait3A_333, %dma_wait3A_334] : memref<640x16xf32, #tpu.memory_space<vmem_shared>> -> memref<640x16xf32, #tpu.memory_space<vmem_shared>>
      tpu.wait_indirect_dma semaphore(%run_scoped3A_319 : memref<!tpu.dma_semaphore, #tpu.memory_space<semaphore_mem>>) src(%dma_wait3A_329 : memref<80x16xf32, #tpu.memory_space<vmem>>) dst(%dma_wait3A_335 : memref<640x16xf32, #tpu.memory_space<vmem_shared>>)
      tpu.yield
    }) : () -> ()
    %run_scoped3A_310 = arith.constant 4 : i32
    "tpu.region"() ({
      %run_scoped3A_319 = tpu.sem_alloc : memref<!tpu.dma_semaphore, #tpu.memory_space<semaphore_mem>>
      %dma_start3A = arith.constant 320 : i32
      %dma_start3A_320 = arith.constant 0 : i32
      %dma_start3A_321 = tpu.memref_slice %arg6[%dma_start3A, %dma_start3A_320] : memref<640x16xf32, #tpu.memory_space<vmem>> -> memref<80x16xf32, #tpu.memory_space<vmem>>
      %dma_start3A_322 = arith.constant 0 : i32
      %dma_start3A_323 = tpu.memref_slice %arg8[%run_scoped3A_310, %dma_start3A_322] : memref<8x80xi32, #tpu.memory_space<vmem>> -> memref<1x80xi32, #tpu.memory_space<vmem>>
      %dma_start3A_324 = tpu.memref_squeeze %dma_start3A_323 : memref<1x80xi32, #tpu.memory_space<vmem>> -> memref<80xi32, #tpu.memory_space<vmem>>
      %dma_start3A_325 = arith.constant 0 : i32
      %dma_start3A_326 = arith.constant 0 : i32
      %dma_start3A_327 = tpu.memref_slice %arg9[%dma_start3A_325, %dma_start3A_326] : memref<640x16xf32, #tpu.memory_space<vmem_shared>> -> memref<640x16xf32, #tpu.memory_space<vmem_shared>>
      tpu.enqueue_indirect_dma source(%dma_start3A_321 : memref<80x16xf32, #tpu.memory_space<vmem>>) target(%dma_start3A_327 : memref<640x16xf32, #tpu.memory_space<vmem_shared>>) offsets(%dma_start3A_324 : memref<80xi32, #tpu.memory_space<vmem>>) semaphore(%run_scoped3A_319 : memref<!tpu.dma_semaphore, #tpu.memory_space<semaphore_mem>>) {add = true}
      %dma_wait3A = arith.constant 320 : i32
      %dma_wait3A_328 = arith.constant 0 : i32
      %dma_wait3A_329 = tpu.memref_slice %arg6[%dma_wait3A, %dma_wait3A_328] : memref<640x16xf32, #tpu.memory_space<vmem>> -> memref<80x16xf32, #tpu.memory_space<vmem>>
      %dma_wait3A_330 = arith.constant 0 : i32
      %dma_wait3A_331 = tpu.memref_slice %arg8[%run_scoped3A_310, %dma_wait3A_330] : memref<8x80xi32, #tpu.memory_space<vmem>> -> memref<1x80xi32, #tpu.memory_space<vmem>>
      %dma_wait3A_332 = tpu.memref_squeeze %dma_wait3A_331 : memref<1x80xi32, #tpu.memory_space<vmem>> -> memref<80xi32, #tpu.memory_space<vmem>>
      %dma_wait3A_333 = arith.constant 0 : i32
      %dma_wait3A_334 = arith.constant 0 : i32
      %dma_wait3A_335 = tpu.memref_slice %arg9[%dma_wait3A_333, %dma_wait3A_334] : memref<640x16xf32, #tpu.memory_space<vmem_shared>> -> memref<640x16xf32, #tpu.memory_space<vmem_shared>>
      tpu.wait_indirect_dma semaphore(%run_scoped3A_319 : memref<!tpu.dma_semaphore, #tpu.memory_space<semaphore_mem>>) src(%dma_wait3A_329 : memref<80x16xf32, #tpu.memory_space<vmem>>) dst(%dma_wait3A_335 : memref<640x16xf32, #tpu.memory_space<vmem_shared>>)
      tpu.yield
    }) : () -> ()
    %run_scoped3A_311 = arith.constant 5 : i32
    "tpu.region"() ({
      %run_scoped3A_319 = tpu.sem_alloc : memref<!tpu.dma_semaphore, #tpu.memory_space<semaphore_mem>>
      %dma_start3A = arith.constant 400 : i32
      %dma_start3A_320 = arith.constant 0 : i32
      %dma_start3A_321 = tpu.memref_slice %arg6[%dma_start3A, %dma_start3A_320] : memref<640x16xf32, #tpu.memory_space<vmem>> -> memref<80x16xf32, #tpu.memory_space<vmem>>
      %dma_start3A_322 = arith.constant 0 : i32
      %dma_start3A_323 = tpu.memref_slice %arg8[%run_scoped3A_311, %dma_start3A_322] : memref<8x80xi32, #tpu.memory_space<vmem>> -> memref<1x80xi32, #tpu.memory_space<vmem>>
      %dma_start3A_324 = tpu.memref_squeeze %dma_start3A_323 : memref<1x80xi32, #tpu.memory_space<vmem>> -> memref<80xi32, #tpu.memory_space<vmem>>
      %dma_start3A_325 = arith.constant 0 : i32
      %dma_start3A_326 = arith.constant 0 : i32
      %dma_start3A_327 = tpu.memref_slice %arg9[%dma_start3A_325, %dma_start3A_326] : memref<640x16xf32, #tpu.memory_space<vmem_shared>> -> memref<640x16xf32, #tpu.memory_space<vmem_shared>>
      tpu.enqueue_indirect_dma source(%dma_start3A_321 : memref<80x16xf32, #tpu.memory_space<vmem>>) target(%dma_start3A_327 : memref<640x16xf32, #tpu.memory_space<vmem_shared>>) offsets(%dma_start3A_324 : memref<80xi32, #tpu.memory_space<vmem>>) semaphore(%run_scoped3A_319 : memref<!tpu.dma_semaphore, #tpu.memory_space<semaphore_mem>>) {add = true}
      %dma_wait3A = arith.constant 400 : i32
      %dma_wait3A_328 = arith.constant 0 : i32
      %dma_wait3A_329 = tpu.memref_slice %arg6[%dma_wait3A, %dma_wait3A_328] : memref<640x16xf32, #tpu.memory_space<vmem>> -> memref<80x16xf32, #tpu.memory_space<vmem>>
      %dma_wait3A_330 = arith.constant 0 : i32
      %dma_wait3A_331 = tpu.memref_slice %arg8[%run_scoped3A_311, %dma_wait3A_330] : memref<8x80xi32, #tpu.memory_space<vmem>> -> memref<1x80xi32, #tpu.memory_space<vmem>>
      %dma_wait3A_332 = tpu.memref_squeeze %dma_wait3A_331 : memref<1x80xi32, #tpu.memory_space<vmem>> -> memref<80xi32, #tpu.memory_space<vmem>>
      %dma_wait3A_333 = arith.constant 0 : i32
      %dma_wait3A_334 = arith.constant 0 : i32
      %dma_wait3A_335 = tpu.memref_slice %arg9[%dma_wait3A_333, %dma_wait3A_334] : memref<640x16xf32, #tpu.memory_space<vmem_shared>> -> memref<640x16xf32, #tpu.memory_space<vmem_shared>>
      tpu.wait_indirect_dma semaphore(%run_scoped3A_319 : memref<!tpu.dma_semaphore, #tpu.memory_space<semaphore_mem>>) src(%dma_wait3A_329 : memref<80x16xf32, #tpu.memory_space<vmem>>) dst(%dma_wait3A_335 : memref<640x16xf32, #tpu.memory_space<vmem_shared>>)
      tpu.yield
    }) : () -> ()
    %run_scoped3A_312 = arith.constant 6 : i32
    "tpu.region"() ({
      %run_scoped3A_319 = tpu.sem_alloc : memref<!tpu.dma_semaphore, #tpu.memory_space<semaphore_mem>>
      %dma_start3A = arith.constant 480 : i32
      %dma_start3A_320 = arith.constant 0 : i32
      %dma_start3A_321 = tpu.memref_slice %arg6[%dma_start3A, %dma_start3A_320] : memref<640x16xf32, #tpu.memory_space<vmem>> -> memref<80x16xf32, #tpu.memory_space<vmem>>
      %dma_start3A_322 = arith.constant 0 : i32
      %dma_start3A_323 = tpu.memref_slice %arg8[%run_scoped3A_312, %dma_start3A_322] : memref<8x80xi32, #tpu.memory_space<vmem>> -> memref<1x80xi32, #tpu.memory_space<vmem>>
      %dma_start3A_324 = tpu.memref_squeeze %dma_start3A_323 : memref<1x80xi32, #tpu.memory_space<vmem>> -> memref<80xi32, #tpu.memory_space<vmem>>
      %dma_start3A_325 = arith.constant 0 : i32
      %dma_start3A_326 = arith.constant 0 : i32
      %dma_start3A_327 = tpu.memref_slice %arg9[%dma_start3A_325, %dma_start3A_326] : memref<640x16xf32, #tpu.memory_space<vmem_shared>> -> memref<640x16xf32, #tpu.memory_space<vmem_shared>>
      tpu.enqueue_indirect_dma source(%dma_start3A_321 : memref<80x16xf32, #tpu.memory_space<vmem>>) target(%dma_start3A_327 : memref<640x16xf32, #tpu.memory_space<vmem_shared>>) offsets(%dma_start3A_324 : memref<80xi32, #tpu.memory_space<vmem>>) semaphore(%run_scoped3A_319 : memref<!tpu.dma_semaphore, #tpu.memory_space<semaphore_mem>>) {add = true}
      %dma_wait3A = arith.constant 480 : i32
      %dma_wait3A_328 = arith.constant 0 : i32
      %dma_wait3A_329 = tpu.memref_slice %arg6[%dma_wait3A, %dma_wait3A_328] : memref<640x16xf32, #tpu.memory_space<vmem>> -> memref<80x16xf32, #tpu.memory_space<vmem>>
      %dma_wait3A_330 = arith.constant 0 : i32
      %dma_wait3A_331 = tpu.memref_slice %arg8[%run_scoped3A_312, %dma_wait3A_330] : memref<8x80xi32, #tpu.memory_space<vmem>> -> memref<1x80xi32, #tpu.memory_space<vmem>>
      %dma_wait3A_332 = tpu.memref_squeeze %dma_wait3A_331 : memref<1x80xi32, #tpu.memory_space<vmem>> -> memref<80xi32, #tpu.memory_space<vmem>>
      %dma_wait3A_333 = arith.constant 0 : i32
      %dma_wait3A_334 = arith.constant 0 : i32
      %dma_wait3A_335 = tpu.memref_slice %arg9[%dma_wait3A_333, %dma_wait3A_334] : memref<640x16xf32, #tpu.memory_space<vmem_shared>> -> memref<640x16xf32, #tpu.memory_space<vmem_shared>>
      tpu.wait_indirect_dma semaphore(%run_scoped3A_319 : memref<!tpu.dma_semaphore, #tpu.memory_space<semaphore_mem>>) src(%dma_wait3A_329 : memref<80x16xf32, #tpu.memory_space<vmem>>) dst(%dma_wait3A_335 : memref<640x16xf32, #tpu.memory_space<vmem_shared>>)
      tpu.yield
    }) : () -> ()
    %run_scoped3A_313 = arith.constant 7 : i32
    "tpu.region"() ({
      %run_scoped3A_319 = tpu.sem_alloc : memref<!tpu.dma_semaphore, #tpu.memory_space<semaphore_mem>>
      %dma_start3A = arith.constant 560 : i32
      %dma_start3A_320 = arith.constant 0 : i32
      %dma_start3A_321 = tpu.memref_slice %arg6[%dma_start3A, %dma_start3A_320] : memref<640x16xf32, #tpu.memory_space<vmem>> -> memref<80x16xf32, #tpu.memory_space<vmem>>
      %dma_start3A_322 = arith.constant 0 : i32
      %dma_start3A_323 = tpu.memref_slice %arg8[%run_scoped3A_313, %dma_start3A_322] : memref<8x80xi32, #tpu.memory_space<vmem>> -> memref<1x80xi32, #tpu.memory_space<vmem>>
      %dma_start3A_324 = tpu.memref_squeeze %dma_start3A_323 : memref<1x80xi32, #tpu.memory_space<vmem>> -> memref<80xi32, #tpu.memory_space<vmem>>
      %dma_start3A_325 = arith.constant 0 : i32
      %dma_start3A_326 = arith.constant 0 : i32
      %dma_start3A_327 = tpu.memref_slice %arg9[%dma_start3A_325, %dma_start3A_326] : memref<640x16xf32, #tpu.memory_space<vmem_shared>> -> memref<640x16xf32, #tpu.memory_space<vmem_shared>>
      tpu.enqueue_indirect_dma source(%dma_start3A_321 : memref<80x16xf32, #tpu.memory_space<vmem>>) target(%dma_start3A_327 : memref<640x16xf32, #tpu.memory_space<vmem_shared>>) offsets(%dma_start3A_324 : memref<80xi32, #tpu.memory_space<vmem>>) semaphore(%run_scoped3A_319 : memref<!tpu.dma_semaphore, #tpu.memory_space<semaphore_mem>>) {add = true}
      %dma_wait3A = arith.constant 560 : i32
      %dma_wait3A_328 = arith.constant 0 : i32
      %dma_wait3A_329 = tpu.memref_slice %arg6[%dma_wait3A, %dma_wait3A_328] : memref<640x16xf32, #tpu.memory_space<vmem>> -> memref<80x16xf32, #tpu.memory_space<vmem>>
      %dma_wait3A_330 = arith.constant 0 : i32
      %dma_wait3A_331 = tpu.memref_slice %arg8[%run_scoped3A_313, %dma_wait3A_330] : memref<8x80xi32, #tpu.memory_space<vmem>> -> memref<1x80xi32, #tpu.memory_space<vmem>>
      %dma_wait3A_332 = tpu.memref_squeeze %dma_wait3A_331 : memref<1x80xi32, #tpu.memory_space<vmem>> -> memref<80xi32, #tpu.memory_space<vmem>>
      %dma_wait3A_333 = arith.constant 0 : i32
      %dma_wait3A_334 = arith.constant 0 : i32
      %dma_wait3A_335 = tpu.memref_slice %arg9[%dma_wait3A_333, %dma_wait3A_334] : memref<640x16xf32, #tpu.memory_space<vmem_shared>> -> memref<640x16xf32, #tpu.memory_space<vmem_shared>>
      tpu.wait_indirect_dma semaphore(%run_scoped3A_319 : memref<!tpu.dma_semaphore, #tpu.memory_space<semaphore_mem>>) src(%dma_wait3A_329 : memref<80x16xf32, #tpu.memory_space<vmem>>) dst(%dma_wait3A_335 : memref<640x16xf32, #tpu.memory_space<vmem_shared>>)
      tpu.yield
    }) : () -> ()
    %barrier3A_314 = arith.constant 0 : index
    tpu.barrier barrier_id(%barrier3A_314)
    %mul3A_315 = arith.constant 40 : i32
    %mul3A_316 = arith.muli %arg1, %mul3A_315 : i32
    %mul3A_317 = arith.constant 40 : i32
    %mul3A_318 = arith.muli %arg1, %mul3A_317 : i32
    "tpu.region"() ({
      %run_scoped3A_319 = tpu.sem_alloc : memref<!tpu.dma_semaphore, #tpu.memory_space<semaphore_mem>>
      %dma_start3A = arith.constant 0 : i32
      %dma_start3A_320 = arith.constant 0 : i32
      %dma_start3A_321 = tpu.memref_slice %arg3[%arg0, %dma_start3A, %dma_start3A_320] : memref<2x640x16xf32, #tpu.memory_space<hbm>> -> memref<1x640x16xf32, #tpu.memory_space<hbm>>
      %dma_start3A_322 = tpu.memref_squeeze %dma_start3A_321 : memref<1x640x16xf32, #tpu.memory_space<hbm>> -> memref<640x16xf32, #tpu.memory_space<hbm>>
      %dma_start3A_323 = arith.constant 0 : i32
      %dma_start3A_324 = tpu.memref_slice %dma_start3A_322[%mul3A_318, %dma_start3A_323] : memref<640x16xf32, #tpu.memory_space<hbm>> -> memref<40x16xf32, #tpu.memory_space<hbm>>
      %dma_start3A_325 = arith.constant 0 : i32
      %dma_start3A_326 = tpu.memref_slice %arg9[%mul3A_316, %dma_start3A_325] : memref<640x16xf32, #tpu.memory_space<vmem_shared>> -> memref<40x16xf32, #tpu.memory_space<vmem_shared>>
      tpu.enqueue_dma source(%dma_start3A_326 : memref<40x16xf32, #tpu.memory_space<vmem_shared>>) target(%dma_start3A_324 : memref<40x16xf32, #tpu.memory_space<hbm>>) target_semaphore(%run_scoped3A_319 : memref<!tpu.dma_semaphore, #tpu.memory_space<semaphore_mem>>)
      %dma_wait3A = arith.constant 0 : i32
      %dma_wait3A_327 = arith.constant 0 : i32
      %dma_wait3A_328 = tpu.memref_slice %arg3[%arg0, %dma_wait3A, %dma_wait3A_327] : memref<2x640x16xf32, #tpu.memory_space<hbm>> -> memref<1x640x16xf32, #tpu.memory_space<hbm>>
      %dma_wait3A_329 = tpu.memref_squeeze %dma_wait3A_328 : memref<1x640x16xf32, #tpu.memory_space<hbm>> -> memref<640x16xf32, #tpu.memory_space<hbm>>
      %dma_wait3A_330 = arith.constant 0 : i32
      %dma_wait3A_331 = tpu.memref_slice %dma_wait3A_329[%mul3A_318, %dma_wait3A_330] : memref<640x16xf32, #tpu.memory_space<hbm>> -> memref<40x16xf32, #tpu.memory_space<hbm>>
      %dma_wait3A_332 = arith.constant 0 : i32
      %dma_wait3A_333 = tpu.memref_slice %arg9[%mul3A_316, %dma_wait3A_332] : memref<640x16xf32, #tpu.memory_space<vmem_shared>> -> memref<40x16xf32, #tpu.memory_space<vmem_shared>>
      tpu.wait_dma2 semaphore(%run_scoped3A_319 : memref<!tpu.dma_semaphore, #tpu.memory_space<semaphore_mem>>) src(%dma_wait3A_333 : memref<40x16xf32, #tpu.memory_space<vmem_shared>>) dst(%dma_wait3A_331 : memref<40x16xf32, #tpu.memory_space<hbm>>)
      tpu.yield
    }) : () -> ()
    return
  }
}

</mosaic_0001>

<sc_bundles>
// kernel: gcn_sc_deg.3.cloned.1.call-start
scs
__scs_entry_jumppad:
0x0: {  	(pc) =	sbr.rel $0x88, $3  }
0x1: {  	(tag) =	ssettag $0x0;
	lr =	simm.s32 $0x1  }
0x2: {  	[smem:$0x3FA0] =	sst lr;
	_ =	strace $0xD0000000  }
0x3: {  	_ = 	snop  }
0x4: {  	_ = 	snop  }
0x5: {  	_ = 	snop  }
0x6: {  	_ = 	snop  }
0x7: {  	_ = 	snop  }
__scs_overlays_trampoline_lowered:
0x8: {  	[smem:$0x3FAF] =	sst s0  }
0x9: {  	[smem:$0x3FB0] =	sst s1  }
0xa: {  	[smem:$0x3FB1] =	sst s2  }
0xb: {  	[smem:$0x3FB2] =	sst s3  }
0xc: {  	[smem:$0x3FB3] =	sst s4  }
0xd: {  	[smem:$0x3FB4] =	sst s5  }
0xe: {  	[smem:$0x3FB5] =	sst s6  }
0xf: {  	[smem:$0x3FB6] =	sst s7  }
0x10: {  	[smem:$0x3FB7] =	sst s8  }
0x11: {  	[smem:$0x3FB8] =	sst s9;
	s0 =	simm.s32 @!p0 $0x0  }
0x12: {  	s1 =	sld [smem:$0x3F9E];
	s0 =	simm.s32 @p0 $0x1  }
0x13: {  	[smem:$0x3FB9] =	sst s0;
	s0 =	simm.s32 @!p1 $0x0  }
0x14: {  	s2 =	sld [smem:$0x3F9D];
	s0 =	simm.s32 @p1 $0x1  }
0x15: {  	[smem:$0x3FBA] =	sst s0;
	s0 =	simm.s32 @!p2 $0x0  }
0x16: {  	s3 =	sld [smem:$0x3FDB];
	s0 =	simm.s32 @p2 $0x1  }
0x17: {  	s4 =	simm.s32 $0x1BF5;
	[smem:$0x3FBC] =	sst s0  }
0x18: {  	s0 =	sld [smem:$0x3F9F];
	_ =	swait.ge [sflag:s4], $0x0  }
0x19: {  	s7 =	sld [smem:$0x3FA0]  }
0x1a: {  	s8 =	sadd.s32 $0xFFFFE003, lr  }
0x1b: {  	s9 =	sadd.s32 $0xFFFFFEF7, lr;
	s5 =	simm.s32 $0xFFFFFFFF;
	p2 =	slt.u32 s8, $0xFFFFF086  }
0x1c: {  	p1 =	slt.u32 s9, $0xF7A;
	s5 =	simm.s32 @!p2 $0x0  }
0x1d: {  	s5 =	simm.s32 @p1 $0x1;
	p0 =	seq.s32 s7, s2  }
0x1e: {  	s7 =	smul.u32 @!p0 $0xF7A, s2;
	p2 =	seq.s32 @!p0 s5, $0x0  }
0x1f: {  	s9 =	smul.u32 $0xF7A, s1;
	s8 =	simm.s32 @!p0 $0x1BF5;
	p2 =	por !p2, p0  }
0x20: {  	[sflag:s8] =	ssyncset.s32 @!p0 $0xFFFFF086;
	s6 =	sadd.s32 @!p0 s3, s7;
	s7 =	simm.s32 @!p0 $0x108  }
0x21: {  	s3 =	sadd.s32 s3, s9;
	s6 =	sadd.s32 @!p0 $0x88, s6;
	s7 =	simm.s32 @p2 $0x1082  }
0x22: {  	[simem:s7], [sflag:s8] =	dma.local @!p0 [hbm:s6], $0xF7A  }
0x23: {  	s9 =	sor.u32 $0xD0000000, s2;
	s6 =	simm.s32 $0x108;
	_ =	swait.ge @!p0 [sflag:s8], $0x0  }
0x24: {  	s3 =	sadd.s32 $0x88, s3;
	s6 =	simm.s32 @!p1 $0x1082;
	[sflag:s4] =	ssyncset.s32 $0xFFFFF086  }
0x25: {  	[simem:s6], [sflag:s4] =	dma.local [hbm:s3], $0xF7A  }
0x26: {  	[smem:$0x3FA0] =	sst s1;
	(tag) =	ssettag s2;
	_ =	strace s9  }
0x27: {  	s1 =	sld [smem:$0x3FB0]  }
0x28: {  	s2 =	sld [smem:$0x3FB1]  }
0x29: {  	s4 =	sld [smem:$0x3FB3]  }
0x2a: {  	p0 =	seq.s32 s5, $0x0;
	s5 =	sld [smem:$0x3FB4]  }
0x2b: {  	s6 =	sld [smem:$0x3FB5]  }
0x2c: {  	s7 =	sld [smem:$0x3FB6]  }
0x2d: {  	s3 =	simm.s32 $0x108;
	s8 =	sld [smem:$0x3FB7]  }
0x2e: {  	s3 =	simm.s32 @!p0 $0x1082;
	s9 =	sld [smem:$0x3FB8]  }
0x2f: {  	lr =	sadd.s32 s0, s3;
	s0 =	sld [smem:$0x3FAF]  }
0x30: {  	s3 =	sld [smem:$0x3FB2]  }
0x31: {  	[smem:$0x3FBB] =	sst s10  }
0x32: {  	s10 =	sld [smem:$0x3FB9];
	_ =	sdelay $0x3  }
0x33: {  	p0 =	seq.s32 s10, $0x1;
	s10 =	sld [smem:$0x3FBB];
	_ =	sdelay $0x3  }
0x34: {  	[smem:$0x3FBB] =	sst s10  }
0x35: {  	s10 =	sld [smem:$0x3FBA];
	_ =	sdelay $0x3  }
0x36: {  	p1 =	seq.s32 s10, $0x1;
	s10 =	sld [smem:$0x3FBB];
	_ =	sdelay $0x3  }
0x37: {  	[smem:$0x3FBB] =	sst s10  }
0x38: {  	s10 =	sld [smem:$0x3FBC]  }
0x39: {  	_ = 	snop;
	(pc) =	sbr.ind lr, $3  }
0x3a: {  	_ = 	snop  }
0x3b: {  	_ = 	snop  }
0x3c: {  	p2 =	seq.s32 s10, $0x1;
	s10 =	sld [smem:$0x3FBB]  }
0x3d: {  	_ =	shalt  }
0x3e: {  	_ =	shalt  }
0x3f: {  	_ =	shalt  }
0x40: {  	_ =	shalt  }
0x41: {  	_ =	shalt  }
0x42: {  	_ =	shalt  }
0x43: {  	_ =	shalt  }
0x44: {  	_ =	shalt  }
0x45: {  	_ =	shalt  }
0x46: {  	_ =	shalt  }
0x47: {  	_ =	shalt  }
0x48: {  	_ =	shalt  }
0x49: {  	_ =	shalt  }
0x4a: {  	_ =	shalt  }
0x4b: {  	_ =	shalt  }
0x4c: {  	_ =	shalt  }
0x4d: {  	_ =	shalt  }
0x4e: {  	_ =	shalt  }
0x4f: {  	_ =	shalt  }
0x50: {  	_ =	shalt  }
0x51: {  	_ =	shalt  }
0x52: {  	_ =	shalt  }
0x53: {  	_ =	shalt  }
0x54: {  	_ =	shalt  }
0x55: {  	_ =	shalt  }
0x56: {  	_ =	shalt  }
0x57: {  	_ =	shalt  }
0x58: {  	_ =	shalt  }
0x59: {  	_ =	shalt  }
0x5a: {  	_ =	shalt  }
0x5b: {  	_ =	shalt  }
0x5c: {  	_ =	shalt  }
0x5d: {  	_ =	shalt  }
0x5e: {  	_ =	shalt  }
0x5f: {  	_ =	shalt  }
0x60: {  	_ =	shalt  }
0x61: {  	_ =	shalt  }
0x62: {  	_ =	shalt  }
0x63: {  	_ =	shalt  }
0x64: {  	_ =	shalt  }
0x65: {  	_ =	shalt  }
0x66: {  	_ =	shalt  }
0x67: {  	_ =	shalt  }
0x68: {  	_ =	shalt  }
0x69: {  	_ =	shalt  }
0x6a: {  	_ =	shalt  }
0x6b: {  	_ =	shalt  }
0x6c: {  	_ =	shalt  }
0x6d: {  	_ =	shalt  }
0x6e: {  	_ =	shalt  }
0x6f: {  	_ =	shalt  }
0x70: {  	_ =	shalt  }
0x71: {  	_ =	shalt  }
0x72: {  	_ =	shalt  }
0x73: {  	_ =	shalt  }
0x74: {  	_ =	shalt  }
0x75: {  	_ =	shalt  }
0x76: {  	_ =	shalt  }
0x77: {  	_ =	shalt  }
0x78: {  	_ =	shalt  }
0x79: {  	_ =	shalt  }
0x7a: {  	_ =	shalt  }
0x7b: {  	_ =	shalt  }
0x7c: {  	_ =	shalt  }
0x7d: {  	_ =	shalt  }
0x7e: {  	_ =	shalt  }
0x7f: {  	_ =	shalt  }
0x80: {  	_ =	shalt  }
0x81: {  	_ =	shalt  }
0x82: {  	_ =	shalt  }
0x83: {  	_ =	shalt  }
0x84: {  	_ =	shalt  }
0x85: {  	_ =	shalt  }
0x86: {  	_ =	shalt  }
0x87: {  	_ =	shalt  }
.Lfunc_end0:
.L_simem_size_0:
called_computation_lowered:
.L_overlay_start_0:
0x88: {  	s2 =	sld [smem:$0x3FD9]  }
0x89: {  	s3 =	sld [smem:$0x3FFE];
	_ =	sdelay $0x1  }
0x8a: {  	s1 =	srdreg.scid  }
0x8b: {  	s0 =	sand.u32 $0x1, s1  }
0x8c: {  	s18 =	sshll.u32 s0, $0xA;
	s2 =	sadd.s32 s3, s2  }
0x8d: {  	s2 =	sadd.s32 s2, s18  }
0x8e: {  	[smem:$0x3FC7] =	sst s2  }
0x8f: {  	_ = 	snop  }
0x90: {  	s2 =	sld [smem:$0x3FC9]  }
0x91: {  	s19 =	sld [smem:$0x3FD0];
	(tm) =	ssettm $0x1  }
0x92: {  	s4 =	sld [smem:$0x3FFB];
	_ =	sdelay $0x3  }
0x93: {  	_ =	strace s4  }
0x94: {  	s4 =	sld [smem:$0x3FFC];
	_ =	sdelay $0x3  }
0x95: {  	_ =	strace s4  }
0x96: {  	s4 =	sld [smem:$0x3FFD];
	_ =	sdelay $0x3  }
0x97: {  	_ =	strace s4  }
0x98: {  	_ =	strace $0x8FFFFFFF  }
0x99: {  	s20 =	sld [smem:$0x3FDB];
	_ =	sdelay $0x1  }
0x9a: {  	s5 =	simm.s32 $_scs_section_size  }
0x9b: {  	s6 =	simm.s32 $_size__tile_overlayer_lowered;
	s7 =	simm.s32 $_tile_overlayer_lowered  }
0x9c: {  	s23 =	simm.s32 $0x1BFF;
	s22 =	sshll.u32 s7, $0x1;
	s4 =	sadd.s32 s5, s20  }
0x9d: {  	s8 =	simm.s32 $0x0;
	s21 =	sshll.u32 s6, $0x1;
	s6 =	sadd.s32 s22, s4  }
0x9e: {  	[timem:s8], [sflag:s23] =	dma.local [hbm:s6], s21  }
0x9f: {  	_ =	swait.ge [sflag:s23], s21  }
0xa0: {  	s5 =	ssub.s32 $0x0, s21;
	[sflag:s23] =	ssyncset.done $0x0  }
0xa1: {  	[sflag:s23] =	ssyncadd.s32 s5;
	_ =	sdelay $0x1  }
0xa2: {  	s24 =	simm.s32 $0x1B8B  }
0xa3: {  	_ =	swait.ge [sflag:s24], $0x1  }
0xa4: {  	[sflag:s24] =	ssyncset.done $0x0  }
0xa5: {  	s25 =	simm.s32 $0x1B8E;
	[sflag:s24] =	ssyncadd.s32 $0xFFFFFFFF  }
0xa6: {  	s26 =	simm.s32 $execute0_lowered;
	[smem:$0x3FD2] =	sst s25  }
0xa7: {  	s5 =	sshll.u32 s26, $0x1;
	_ =	strace $0x80000046;
	[dreg:$0x1] =	wrdreg $0xFFFFFFFF  }
0xa8: {  	s28 =	simm.s32 $_size_execute0_lowered;
	s4 =	sadd.s32 s4, s5;
	[dreg:$0x0] =	wrdreg $0x0  }
0xa9: {  	s5 =	sshll.u32 s28, $0x1;
	[dreg:$0x2] =	wrdreg s4  }
0xaa: {  	[dreg:$0x3] =	wrdreg s5  }
0xab: {  	[dreg:$0x4] =	wrdreg $0xC0  }
0xac: {  	_ =	task [dreg:s8], $0x5FFFF  }
0xad: {  	[dreg:$0x1] =	wrdreg $0xFFFFFFFF  }
0xae: {  	[dreg:$0x0] =	wrdreg $0x60  }
0xaf: {  	[dreg:$0x2] =	wrdreg s2  }
0xb0: {  	[dreg:$0x3] =	wrdreg s19  }
0xb1: {  	[dreg:$0x4] =	wrdreg $0xA2800  }
0xb2: {  	[dreg:$0x5] =	wrdreg $0x9  }
0xb3: {  	_ =	task.clear_ibuf [dreg:s8], $0x6FFFF;
	_ =	strace $0x90000046  }
0xb4: {  	s29 =	simm.s32 $0x9;
	_ =	strace $0x80000048  }
0xb5: {  	_ =	swait.ge [sflag:s29], $0x1  }
0xb6: {  	[sflag:s29] =	ssyncadd.s32 $0xFFFFFFFF  }
0xb7: {  	_ =	strace $0x90000048  }
0xb8: {  	_ =	sfence  }
0xb9: {  	s30 =	sld [smem:$0x0];
	_ =	sdelay $0x2  }
0xba: {  	s31 =	sshll.u32 s1, $0xD;
	s1 =	sshrl.u32 s1, $0x2  }
0xbb: {  	s3 =	sand.u32 $0x4000, s31;
	s1 =	sadd.s32 s1, s30  }
0xbc: {  	s0 =	sor.u32 s3, s0;
	s1 =	sshll.u32 s1, $0x11  }
0xbd: {  	s0 =	sor.u32 s1, s0  }
0xbe: {  	s0 =	sadd.s32 $0x8F2B, s0  }
0xbf: {  	[sflag:s0] =	ssyncadd.remote.s32 $0x1  }
0xc0: {  	_ =	sfence.sel $0xFFFF  }
0xc1: {  	[dreg:$0x0] =	wrdreg $0xFFFFFFFF;
	(pc) =	sbr.abs _section_cstart, $3  }
0xc2: {  	[dreg:$0x1] =	wrdreg $0xFFFFFFFF  }
0xc3: {  	_ =	task.clear_ibuf [dreg:s8], $0x2FFFF;
	_ =	strace $0x9FFFFFFF  }
0xc4: {  	(tm) =	ssettm $0x7FFFFFFF  }
0xc5: {  	_ =	shalt  }
tec
execute0_lowered:
.L_overlay_start_1:
0x0: {  	(tag) =	ssettag $0x1  }
0x1: {  	s4 =	rddreg [dreg:$0x0]  }
0x2: {  	s6 =	rddreg [dreg:$0x1]  }
0x3: {  	s0 =	srdreg.scid;
	v0 =	vlaneseq.u32;
	s2 =	rddreg [dreg:$0x2];
	v1 =	vimm.f32 $0.0e+00;
	s12 =	simm.s32 $0x5000;
	v41 =	vimm.f32 $1.000000000e+00  }
0x4: {  	s13 =	simm.s32 $0xA050;
	s14 =	simm.s32 $0x5500;
	s15 =	simm.s32 $0xA0A0;
	v2 =	vor.u32 $0x10, v0;
	v3 =	vor.u32 $0x20, v0;
	v4 =	vor.u32 $0x30, v0  }
0x5: {  	s16 =	simm.s32 $0x5A00;
	s17 =	simm.s32 $0xA0F0;
	s18 =	simm.s32 $0x5F00;
	v5 =	vor.u32 $0x40, v0;
	v6 =	vor.u32 $0x50, v0;
	v7 =	vor.u32 $0x60, v0  }
0x6: {  	s19 =	simm.s32 $0xA140;
	s20 =	simm.s32 $0x6400;
	s21 =	simm.s32 $0xA190;
	v8 =	vor.u32 $0x70, v0;
	v9 =	vor.u32 $0x80, v0;
	v10 =	vor.u32 $0x90, v0  }
0x7: {  	s22 =	simm.s32 $0x6900;
	s23 =	simm.s32 $0xA1E0;
	s26 =	simm.s32 $0xA230;
	v11 =	vor.u32 $0xA0, v0;
	v12 =	vor.u32 $0xB0, v0;
	v13 =	vor.u32 $0xC0, v0  }
0x8: {  	s28 =	simm.s32 $0x7300;
	s5 =	sand.u32 $0x1, s0;
	s0 =	stileid.u32;
	v14 =	vor.u32 $0xD0, v0;
	v15 =	vor.u32 $0xE0, v0;
	v16 =	vor.u32 $0xF0, v0  }
0x9: {  	s29 =	simm.s32 $0x0;
	v17 =	vor.u32 $0x100, v0;
	v18 =	vor.u32 $0x110, v0;
	v19 =	vor.u32 $0x120, v0;
	s1 =	sshll.u32 s5, $0x4;
	s9 =	smul.u32 $0x280, s0  }
0xa: {  	v20 =	vor.u32 $0x130, v0;
	v21 =	vor.u32 $0x140, v0;
	v22 =	vor.u32 $0x150, v0;
	s8 =	ssub.s32 $0x2, s5;
	s11 =	smul.u32 $0x500, s5;
	s3 =	sor.u32 s0, s1  }
0xb: {  	v23 =	vor.u32 $0x160, v0;
	v24 =	vor.u32 $0x170, v0;
	v25 =	vor.u32 $0x180, v0;
	s10 =	sshrl.u32 s8, $0x1;
	s7 =	smul.u32 $0x500, s3;
	s3 =	simm.s32 $0x0  }
0xc: {  	v26 =	vor.u32 $0x190, v0;
	v27 =	vor.u32 $0x1A0, v0;
	v28 =	vor.u32 $0x1B0, v0;
	s8 =	ssub.s32 s8, s10;
	s5 =	sadd.s32 s9, s2;
	s24 =	sadd.s32 s6, s11  }
0xd: {  	v29 =	vor.u32 $0x1C0, v0;
	v30 =	vor.u32 $0x1D0, v0;
	v31 =	vor.u32 $0x1E0, v0;
	s25 =	sshrl.u32 s9, $0x3;
	s9 =	simm.s32 $0x2800;
	s10 =	simm.s32 $0x50  }
0xe: {  	v32 =	vor.u32 $0x1F0, v0;
	v33 =	vor.u32 $0x200, v0;
	v34 =	vor.u32 $0x210, v0;
	s11 =	simm.s32 $0xA000;
	[smem:$0x7FF] =	sst s3;
	s6 =	smax.u32 s8, $0x1  }
0xf: {  	v35 =	vor.u32 $0x220, v0;
	v36 =	vor.u32 $0x230, v0;
	v37 =	vor.u32 $0x240, v0;
	s8 =	simm.s32 $0x7800;
	s24 =	sadd.s32 s25, s24;
	s25 =	simm.s32 $0x6E00  }
0x10: {  	v38 =	vor.u32 $0x250, v0;
	v39 =	vor.u32 $0x260, v0;
	v40 =	vor.u32 $0x270, v0;
	_ =	strace $0x80000047;
	s4 =	sadd.s32 s4, s7;
	s7 =	simm.s32 $0x1  }
.LBB2_1:
0x11: {  	[tilespmem:s3], [sflag:$0x1] =	stream.linear.gather [hbm4b:s4+s3], $0x2800, $0x38;
	[tilespmem:$0xA500] =	vst v63  }
0x12: {  	_ =	swait.ge [sflag:s7], $0x2800  }
0x13: {  	[sflag:s7] =	ssyncset.done $0x0  }
0x14: {  	s30 =	simm.s32 $0x40;
	s31 =	simm.s32 $0x0;
	[sflag:s7] =	ssyncadd.s32 $0xFFFFD800  }
.LBB2_2:
0x15: {  	p0 =	sne.s32 s30, $0x9FC0;
	[tilespmem:s31+$0x7800] =	vst v1;
	s1 =	smov.u32 s30;
	s30 =	sadd.s32 $0x40, s30  }
.Ltmp0:
0x16: {  	[tilespmem:s31+$0x2800] =	vst v1;
	(pc) =	sbr.rel @p0 .LBB2_2-.Ltmp0, $2  }
0x17: {  	_ =	sdelay $0x2  }
0x18: {  	s31 =	sshra.s32 s1, $0x2  }
0x19: {  	[tilespmem:s31+$0x7800] =	vst v1  }
0x1a: {  	[tilespmem:s31+$0x2800] =	vst v1  }
0x1b: {  	[tilespmem:$0xA000] =	vst v0  }
0x1c: {  	[tilespmem:$0xA010] =	vst v2  }
0x1d: {  	[tilespmem:$0xA020] =	vst v3  }
0x1e: {  	[tilespmem:$0xA030] =	vst v4  }
0x1f: {  	[tilespmem:$0xA040] =	vst v5  }
0x20: {  	[tilespmem:$0xA050] =	vst v6  }
0x21: {  	[tilespmem:$0xA060] =	vst v7  }
0x22: {  	[tilespmem:$0xA070] =	vst v8  }
0x23: {  	[tilespmem:$0xA080] =	vst v9  }
0x24: {  	[tilespmem:$0xA090] =	vst v10  }
0x25: {  	[tilespmem:$0xA0A0] =	vst v11  }
0x26: {  	[tilespmem:$0xA0B0] =	vst v12  }
0x27: {  	[tilespmem:$0xA0C0] =	vst v13  }
0x28: {  	[tilespmem:$0xA0D0] =	vst v14  }
0x29: {  	[tilespmem:$0xA0E0] =	vst v15  }
0x2a: {  	[tilespmem:$0xA0F0] =	vst v16  }
0x2b: {  	[tilespmem:$0xA100] =	vst v17  }
0x2c: {  	[tilespmem:$0xA110] =	vst v18  }
0x2d: {  	[tilespmem:$0xA120] =	vst v19  }
0x2e: {  	[tilespmem:$0xA130] =	vst v20  }
0x2f: {  	[tilespmem:$0xA140] =	vst v21  }
0x30: {  	[tilespmem:$0xA150] =	vst v22  }
0x31: {  	[tilespmem:$0xA160] =	vst v23  }
0x32: {  	[tilespmem:$0xA170] =	vst v24  }
0x33: {  	[tilespmem:$0xA180] =	vst v25  }
0x34: {  	[tilespmem:$0xA190] =	vst v26  }
0x35: {  	[tilespmem:$0xA1A0] =	vst v27  }
0x36: {  	[tilespmem:$0xA1B0] =	vst v28  }
0x37: {  	[tilespmem:$0xA1C0] =	vst v29  }
0x38: {  	[tilespmem:$0xA1D0] =	vst v30  }
0x39: {  	[tilespmem:$0xA1E0] =	vst v31  }
0x3a: {  	[tilespmem:$0xA1F0] =	vst v32  }
0x3b: {  	[tilespmem:$0xA200] =	vst v33  }
0x3c: {  	[tilespmem:$0xA210] =	vst v34  }
0x3d: {  	[tilespmem:$0xA220] =	vst v35  }
0x3e: {  	[tilespmem:$0xA230] =	vst v36  }
0x3f: {  	[tilespmem:$0xA240] =	vst v37  }
0x40: {  	[tilespmem:$0xA250] =	vst v38  }
0x41: {  	[tilespmem:$0xA260] =	vst v39  }
0x42: {  	[tilespmem:$0xA270] =	vst v40  }
0x43: {  	[spmem:s5] =	stream.linear.scatter [tilespmem:s8], [sflag:$0x1], $0x280, $0x38;
	[tilespmem:$0xA500] =	vst v63  }
0x44: {  	_ =	swait.ge [sflag:s7], $0x280  }
0x45: {  	[sflag:s7] =	ssyncset.done $0x0  }
0x46: {  	[sflag:s7] =	ssyncadd.s32 $0xFFFFFD80  }
0x47: {  	s30 =	simm.s32 $0x0;
	s31 =	simm.s32 $0x0;
	[bflag:$0x0] =	sbarrier.arrive $0xFFFF  }
.LBB2_4:
0x48: {  	s1 =	sshra.s32 s31, $0x2  }
0x49: {  	v42 =	vld [tilespmem:s1+$0x0];
	_ =	sdelay $0x7  }
0x4a: {  	[tilespmem:v42+s9+$0x0] =	vst.idx.add.f32.msk $0xffff, v41  }
0x4b: {  	v42 =	vld [tilespmem:s1+$0x10];
	_ =	sdelay $0x7  }
0x4c: {  	[tilespmem:v42+s9+$0x0] =	vst.idx.add.f32.msk $0xffff, v41  }
0x4d: {  	v42 =	vld [tilespmem:s1+$0x20];
	_ =	sdelay $0x7  }
0x4e: {  	[tilespmem:v42+s9+$0x0] =	vst.idx.add.f32.msk $0xffff, v41  }
0x4f: {  	v42 =	vld [tilespmem:s1+$0x30];
	_ =	sdelay $0x7  }
0x50: {  	[tilespmem:v42+s9+$0x0] =	vst.idx.add.f32.msk $0xffff, v41  }
0x51: {  	v42 =	vld [tilespmem:s1+$0x40];
	_ =	sdelay $0x7  }
0x52: {  	[tilespmem:v42+s9+$0x0] =	vst.idx.add.f32.msk $0xffff, v41  }
0x53: {  	v42 =	vld [tilespmem:s1+$0x50];
	_ =	sdelay $0x7  }
0x54: {  	[tilespmem:v42+s9+$0x0] =	vst.idx.add.f32.msk $0xffff, v41  }
0x55: {  	v42 =	vld [tilespmem:s1+$0x60];
	_ =	sdelay $0x7  }
0x56: {  	[tilespmem:v42+s9+$0x0] =	vst.idx.add.f32.msk $0xffff, v41  }
0x57: {  	v42 =	vld [tilespmem:s1+$0x70];
	_ =	sdelay $0x2  }
0x58: {  	p0 =	sne.s32 s31, $0x9E00  }
.Ltmp1:
0x59: {  	_ = 	snop;
	(pc) =	sbr.rel @p0 .LBB2_4-.Ltmp1, $2  }
0x5a: {  	_ =	sdelay $0x2  }
0x5b: {  	s31 =	sadd.s32 $0x200, s31;
	[tilespmem:v42+s9+$0x0] =	vst.idx.add.f32.msk $0xffff, v41  }
0x5c: {  	s31 =	sshra.s32 s30, $0x2  }
0x5d: {  	s30 =	sadd.s32 $0x40, s30;
	v42 =	vld [tilespmem:s31+$0x2800]  }
.LBB2_6:
0x5e: {  	p0 =	sne.s32 s30, $0x9FC0  }
.Ltmp2:
0x5f: {  	_ = 	snop;
	(pc) =	sbr.rel @p0 .LBB2_6-.Ltmp2, $3  }
0x60: {  	_ =	sdelay $0x1  }
0x61: {  	[tilespmem:s31+$0x5000] =	vst v42;
	s31 =	sshra.s32 s30, $0x2;
	s30 =	sadd.s32 $0x40, s30  }
0x62: {  	v42 =	vld [tilespmem:s31+$0x2800]  }
0x63: {  	_ =	sdelay $0x3  }
0x64: {  	[tilespmem:s31+$0x5000] =	vst v42  }
0x65: {  	[spmem:s2] =	stream.indirect.scatter.add.f32 [tilespmem:s12], [sflag:$0x1], $0x10, s11, s10, $0xb8;
	[tilespmem:$0xA500] =	vst v63  }
0x66: {  	_ =	swait.ge [sflag:s7], $0x500  }
0x67: {  	[sflag:s7] =	ssyncset.done $0x0  }
0x68: {  	[sflag:s7] =	ssyncadd.s32 $0xFFFFFB00  }
0x69: {  	[spmem:s2] =	stream.indirect.scatter.add.f32 [tilespmem:s14], [sflag:$0x1], $0x10, s13, s10, $0xb8;
	[tilespmem:$0xA500] =	vst v63  }
0x6a: {  	_ =	swait.ge [sflag:s7], $0x500  }
0x6b: {  	[sflag:s7] =	ssyncset.done $0x0  }
0x6c: {  	[sflag:s7] =	ssyncadd.s32 $0xFFFFFB00  }
0x6d: {  	[spmem:s2] =	stream.indirect.scatter.add.f32 [tilespmem:s16], [sflag:$0x1], $0x10, s15, s10, $0xb8;
	[tilespmem:$0xA500] =	vst v63  }
0x6e: {  	_ =	swait.ge [sflag:s7], $0x500  }
0x6f: {  	[sflag:s7] =	ssyncset.done $0x0  }
0x70: {  	[sflag:s7] =	ssyncadd.s32 $0xFFFFFB00  }
0x71: {  	[spmem:s2] =	stream.indirect.scatter.add.f32 [tilespmem:s18], [sflag:$0x1], $0x10, s17, s10, $0xb8;
	[tilespmem:$0xA500] =	vst v63  }
0x72: {  	_ =	swait.ge [sflag:s7], $0x500  }
0x73: {  	[sflag:s7] =	ssyncset.done $0x0  }
0x74: {  	[sflag:s7] =	ssyncadd.s32 $0xFFFFFB00  }
0x75: {  	[spmem:s2] =	stream.indirect.scatter.add.f32 [tilespmem:s20], [sflag:$0x1], $0x10, s19, s10, $0xb8;
	[tilespmem:$0xA500] =	vst v63  }
0x76: {  	_ =	swait.ge [sflag:s7], $0x500  }
0x77: {  	[sflag:s7] =	ssyncset.done $0x0  }
0x78: {  	[sflag:s7] =	ssyncadd.s32 $0xFFFFFB00  }
0x79: {  	[spmem:s2] =	stream.indirect.scatter.add.f32 [tilespmem:s22], [sflag:$0x1], $0x10, s21, s10, $0xb8;
	[tilespmem:$0xA500] =	vst v63  }
0x7a: {  	_ =	swait.ge [sflag:s7], $0x500  }
0x7b: {  	[sflag:s7] =	ssyncset.done $0x0  }
0x7c: {  	[sflag:s7] =	ssyncadd.s32 $0xFFFFFB00  }
0x7d: {  	[spmem:s2] =	stream.indirect.scatter.add.f32 [tilespmem:s25], [sflag:$0x1], $0x10, s23, s10, $0xb8;
	[tilespmem:$0xA500] =	vst v63  }
0x7e: {  	_ =	swait.ge [sflag:s7], $0x500  }
0x7f: {  	[sflag:s7] =	ssyncset.done $0x0  }
0x80: {  	[sflag:s7] =	ssyncadd.s32 $0xFFFFFB00  }
0x81: {  	[spmem:s2] =	stream.indirect.scatter.add.f32 [tilespmem:s28], [sflag:$0x1], $0x10, s26, s10, $0xb8;
	[tilespmem:$0xA500] =	vst v63  }
0x82: {  	_ =	swait.ge [sflag:s7], $0x500  }
0x83: {  	s1 =	sshll.u32 s0, $0x6;
	s29 =	sadd.s32 $0x1, s29;
	[sflag:s7] =	ssyncset.done $0x0  }
0x84: {  	s30 =	sshrl.u32 s5, $0x3;
	p0 =	sne.s32 s29, s6;
	[sflag:s7] =	ssyncadd.s32 $0xFFFFFB00  }
.Ltmp3:
0x85: {  	s1 =	sor.u32 $0x1C01, s1;
	[bflag:$0x0] =	sbarrier.arrive $0xFFFF;
	(pc) =	sbr.rel @p0 .LBB2_1-.Ltmp3, $4  }
0x86: {  	[hbm:s24], [sflag:s1] =	dma.local [spmem:s30], $0x50  }
0x87: {  	_ =	swait.ge [sflag:s7], $0x50  }
0x88: {  	[sflag:s7] =	ssyncset.done $0x0  }
0x89: {  	[sflag:s7] =	ssyncadd.s32 $0xFFFFFFB0  }
0x8a: {  	_ =	sfence.sel $0x180000  }
0x8b: {  	[bflag:$0x0] =	sbarrier.arrive $0xFFFF  }
0x8c: {  	_ =	strace $0x90000047  }
0x8d: {  	[bflag:$0x2] =	sbarrier.arrive $0xFFFF  }
0x8e: {  	p0 =	sne.s32 s0, $0x0;
	s0 =	rddreg [dreg:$0x3]  }
0x8f: {  	s0 =	sadd.s32 @!p0 $0x100000, s0  }
0x90: {  	[sflag:s0] =	ssyncadd.tile.s32 @!p0 $0x1;
	_ =	shalt  }
.Lfunc_end2:
_tile_overlayer_lowered:
.L_overlay_start_2:
0x91: {  	(tag) =	ssettag $0x2  }
0x92: {  	s0 =	rddreg [dreg:$0x0];
	s2 =	stileid.u32  }
0x93: {  	s1 =	rddreg [dreg:$0x1];
	p0 =	sne.s32 s2, $0x0  }
0x94: {  	s3 =	rddreg [dreg:$0x2];
	[bflag:$0x3] =	sbarrier.arrive $0xFFFF;
	s2 =	simm.s32 @!p0 $0x1C01  }
0x95: {  	[timem:s3], [sflag:s2] =	dma.local @!p0 [hbm:s0], s1  }
0x96: {  	s0 =	simm.s32 @!p0 $0x1  }
0x97: {  	_ =	swait.ge @!p0 [sflag:s0], s1  }
0x98: {  	s1 =	ssub.s32 @!p0 $0x0, s1;
	[sflag:s0] =	ssyncset.done @!p0 $0x0  }
0x99: {  	[sflag:s0] =	ssyncadd.s32 @!p0 s1  }
0x9a: {  	[bflag:$0x3] =	sbarrier.arrive $0xFFFF  }
0x9b: {  	_ =	shalt  }

</sc_bundles>
